<compile_context>
chip_gen: v7x
topology: tpu7x:2x2x1
jax: 0.10.2.dev20260603
libtpu: 0.0.44.dev20260713+nightly
codegen_flags: <defaults>
</compile_context>

<pallas_src>
import functools
import math

import jax
import jax.numpy as jnp
import numpy as np
from jax import lax
from jax.experimental import pallas as pl
from jax.experimental.pallas import tpu as pltpu
from jax.experimental.pallas import tpu_sc as plsc

VOCAB = 1000000
EMB_DIM = 64
CONTEXT = 200
BATCH = 1024

_PAD_DIM = 2 * EMB_DIM
_NUM_CORES = 2
_NUM_SUBCORES = 16
_NW = _NUM_CORES * _NUM_SUBCORES
_SEQ_PER_W = BATCH // _NW
_VPR = EMB_DIM // 16
_UNROLL = 4


def _pos_encoding() -> np.ndarray:
    pos = np.arange(CONTEXT, dtype=np.float32)[:, None]
    i = np.arange(EMB_DIM)[None, :]
    angle_rates = np.power(10000.0, (2 * (i // 2)).astype(np.float32) / float(EMB_DIM))
    angles = pos / angle_rates
    pe = np.where(i % 2 == 0, np.sin(angles), np.cos(angles))
    return pe.astype(np.float32)


_PE = _pos_encoding()


def _emb_body(table_hbm, x_hbm, pe_hbm, out_hbm,
              idx0, idx1, rows0, rows1, pe_v, g0, g1, o0, o1):
    wid = lax.axis_index("s") * _NUM_CORES + lax.axis_index("c")
    seq_base = wid * _SEQ_PER_W
    idx_b = (idx0, idx1)
    rows_b = (rows0, rows1)
    g_sem = (g0, g1)
    o_sem = (o0, o1)

    pltpu.sync_copy(pe_hbm, pe_v)

    def start_gather(b, c):
        pltpu.sync_copy(x_hbm.at[seq_base + c], idx_b[b])
        pltpu.make_async_copy(table_hbm.at[idx_b[b]], rows_b[b], g_sem[b]).start()

    def wait_gather(b):
        pltpu.make_async_copy(table_hbm.at[idx_b[b]], rows_b[b], g_sem[b]).wait()

    def add_pe(b):
        rows_v = rows_b[b]

        def row_body(r4, _):
            for k in range(_UNROLL):
                r = r4 * _UNROLL + k
                for j in range(_VPR):
                    sl = pl.ds(j * 16, 16)
                    rows_v[r, sl] = rows_v[r, sl] + pe_v[r, sl]
            return 0

        lax.fori_loop(0, CONTEXT // _UNROLL, row_body, 0)

    def start_store(b, c):
        pltpu.make_async_copy(
            rows_b[b].at[pl.ds(0, CONTEXT), pl.ds(0, EMB_DIM)],
            out_hbm.at[seq_base + c], o_sem[b]).start()

    def wait_store(b, c):
        pltpu.make_async_copy(
            rows_b[b].at[pl.ds(0, CONTEXT), pl.ds(0, EMB_DIM)],
            out_hbm.at[seq_base + c], o_sem[b]).wait()

    start_gather(0, 0)
    start_gather(1, 1)

    def pair_body(t, _):
        for b in range(2):
            c = 2 * t + b
            wait_gather(b)
            add_pe(b)
            start_store(b, c)

            @pl.when(c + 2 < _SEQ_PER_W)
            def _prepare():
                wait_store(b, c)
                start_gather(b, c + 2)
            del _prepare
        return 0

    lax.fori_loop(0, _SEQ_PER_W // 2, pair_body, 0)
    wait_store(0, _SEQ_PER_W - 2)
    wait_store(1, _SEQ_PER_W - 1)


@jax.jit
def kernel(x, table):
    pe = jnp.asarray(_PE)
    tpad = jnp.pad(table, ((0, 0), (0, _PAD_DIM - EMB_DIM)))
    mesh = plsc.VectorSubcoreMesh(core_axis_name="c", subcore_axis_name="s")
    run = functools.partial(
        pl.kernel,
        mesh=mesh,
        compiler_params=pltpu.CompilerParams(use_tc_tiling_on_sc=False),
        out_type=jax.ShapeDtypeStruct((BATCH, CONTEXT, EMB_DIM), jnp.float32),
        scratch_types=[
            pltpu.VMEM((CONTEXT,), jnp.int32),
            pltpu.VMEM((CONTEXT,), jnp.int32),
            pltpu.VMEM((CONTEXT, _PAD_DIM), jnp.float32),
            pltpu.VMEM((CONTEXT, _PAD_DIM), jnp.float32),
            pltpu.VMEM((CONTEXT, EMB_DIM), jnp.float32),
            pltpu.SemaphoreType.DMA,
            pltpu.SemaphoreType.DMA,
            pltpu.SemaphoreType.DMA,
            pltpu.SemaphoreType.DMA,
        ],
    )(_emb_body)
    return run(tpad, x, pe)

# --- scband reference (transcript-rebuilt; emitter-appended) ---
"""Pipeline reference for scband-article-generator-embedding-43714177138731 (READ-ONLY COPY).

The authoritative reference and input builder live on the scoring server;
editing this copy changes nothing except your own understanding.
"""

import jax, jax.numpy as jnp
import numpy as np

VOCAB = 1000000
EMB_DIM = 64
CONTEXT = 200
BATCH = 1024


def _positional_encoding(context, emb_dim):
    # Standard sinusoidal positional encoding (Vaswani et al.)
    pos = jnp.arange(context, dtype=jnp.float32)[:, None]
    i = jnp.arange(emb_dim)[None, :]
    angle_rates = jnp.power(10000.0, (2 * (i // 2)).astype(jnp.float32) / float(emb_dim))
    angles = pos / angle_rates
    pe = jnp.where(i % 2 == 0, jnp.sin(angles), jnp.cos(angles))
    return pe.astype(jnp.float32)


def setup_inputs(seed: int = 0) -> dict:
    key = jax.random.key(seed)
    k1, k2 = jax.random.split(key)
    x = jax.random.randint(k1, (BATCH, CONTEXT), 0, VOCAB, dtype=jnp.int32)
    table = jax.random.normal(k2, (VOCAB, EMB_DIM), dtype=jnp.float32) * 0.02
    return {"x": x, "table": table}


def reference(x, table):
    # Embedding lookup (gather on SparseCore)
    emb = jnp.take(table, x, axis=0)  # [B, L, D]
    # Add fixed sinusoidal positional encoding
    pe = _positional_encoding(CONTEXT, EMB_DIM)  # [L, D]
    out = emb + pe[None, :, :]
    return out

if __name__ == "__main__":
    import jax
    _d = setup_inputs()
    print(jax.jit(kernel)(*tuple(_d.values())))

</pallas_src>

<mosaic_0001>
#map = affine_map<(d0, d1) -> (0, 0)>
#map1 = affine_map<(d0, d1) -> (0, 0, 0)>
module attributes {stable_mosaic.version = 14 : i64} {
  func.func @_emb_body(%arg0: i32, %arg1: i32, %arg2: memref<1000000x128xf32, #tpu.memory_space<hbm>>, %arg3: memref<1024x200xi32, #tpu.memory_space<hbm>>, %arg4: memref<200x64xf32, #tpu.memory_space<hbm>>, %arg5: memref<1024x200x64xf32, #tpu.memory_space<hbm>>, %arg6: memref<200xi32, #tpu.memory_space<vmem>>, %arg7: memref<200xi32, #tpu.memory_space<vmem>>, %arg8: memref<200x128xf32, #tpu.memory_space<vmem>>, %arg9: memref<200x128xf32, #tpu.memory_space<vmem>>, %arg10: memref<200x64xf32, #tpu.memory_space<vmem>>, %arg11: memref<!tpu.dma_semaphore, #tpu.memory_space<semaphore_mem>>, %arg12: memref<!tpu.dma_semaphore, #tpu.memory_space<semaphore_mem>>, %arg13: memref<!tpu.dma_semaphore, #tpu.memory_space<semaphore_mem>>, %arg14: memref<!tpu.dma_semaphore, #tpu.memory_space<semaphore_mem>>) attributes {dimension_semantics = [#tpu.dimension_semantics<core_parallel>, #tpu.dimension_semantics<subcore_parallel>], iteration_bounds = array<i64: 2, 16>, scalar_prefetch = 0 : i64, scratch_operands = 9 : i64, tpu.core_type = #tpu.core_type<sc_vector_subcore>, window_params = [{transform_indices = #map}, {transform_indices = #map}, {transform_indices = #map}, {transform_indices = #map1}]} {
    %mul3A = arith.constant 2 : i32
    %mul3A_0 = arith.muli %arg1, %mul3A : i32
    %add3A = arith.addi %mul3A_0, %arg0 : i32
    %mul3A_1 = arith.constant 32 : i32
    %mul3A_2 = arith.muli %add3A, %mul3A_1 : i32
    "tpu.region"() ({
      %run_scoped3A = tpu.sem_alloc : memref<!tpu.dma_semaphore, #tpu.memory_space<semaphore_mem>>
      tpu.enqueue_dma source(%arg4 : memref<200x64xf32, #tpu.memory_space<hbm>>) target(%arg10 : memref<200x64xf32, #tpu.memory_space<vmem>>) target_semaphore(%run_scoped3A : memref<!tpu.dma_semaphore, #tpu.memory_space<semaphore_mem>>)
      tpu.wait_dma2 semaphore(%run_scoped3A : memref<!tpu.dma_semaphore, #tpu.memory_space<semaphore_mem>>) src(%arg4 : memref<200x64xf32, #tpu.memory_space<hbm>>) dst(%arg10 : memref<200x64xf32, #tpu.memory_space<vmem>>)
      tpu.yield
    }) : () -> ()
    %add3A_3 = arith.constant 0 : i32
    %add3A_4 = arith.addi %mul3A_2, %add3A_3 : i32
    "tpu.region"() ({
      %run_scoped3A = tpu.sem_alloc : memref<!tpu.dma_semaphore, #tpu.memory_space<semaphore_mem>>
      %dma_start3A_49 = arith.constant 0 : i32
      %dma_start3A_50 = tpu.memref_slice %arg3[%add3A_4, %dma_start3A_49] : memref<1024x200xi32, #tpu.memory_space<hbm>> -> memref<1x200xi32, #tpu.memory_space<hbm>>
      %dma_start3A_51 = tpu.memref_squeeze %dma_start3A_50 : memref<1x200xi32, #tpu.memory_space<hbm>> -> memref<200xi32, #tpu.memory_space<hbm>>
      %dma_start3A_52 = arith.constant 0 : i32
      %dma_start3A_53 = tpu.memref_slice %arg3[%add3A_4, %dma_start3A_52] : memref<1024x200xi32, #tpu.memory_space<hbm>> -> memref<1x200xi32, #tpu.memory_space<hbm>>
      %dma_start3A_54 = tpu.memref_squeeze %dma_start3A_53 : memref<1x200xi32, #tpu.memory_space<hbm>> -> memref<200xi32, #tpu.memory_space<hbm>>
      tpu.enqueue_dma source(%dma_start3A_54 : memref<200xi32, #tpu.memory_space<hbm>>) target(%arg6 : memref<200xi32, #tpu.memory_space<vmem>>) target_semaphore(%run_scoped3A : memref<!tpu.dma_semaphore, #tpu.memory_space<semaphore_mem>>)
      %dma_wait3A_55 = arith.constant 0 : i32
      %dma_wait3A_56 = tpu.memref_slice %arg3[%add3A_4, %dma_wait3A_55] : memref<1024x200xi32, #tpu.memory_space<hbm>> -> memref<1x200xi32, #tpu.memory_space<hbm>>
      %dma_wait3A_57 = tpu.memref_squeeze %dma_wait3A_56 : memref<1x200xi32, #tpu.memory_space<hbm>> -> memref<200xi32, #tpu.memory_space<hbm>>
      %dma_wait3A_58 = arith.constant 0 : i32
      %dma_wait3A_59 = tpu.memref_slice %arg3[%add3A_4, %dma_wait3A_58] : memref<1024x200xi32, #tpu.memory_space<hbm>> -> memref<1x200xi32, #tpu.memory_space<hbm>>
      %dma_wait3A_60 = tpu.memref_squeeze %dma_wait3A_59 : memref<1x200xi32, #tpu.memory_space<hbm>> -> memref<200xi32, #tpu.memory_space<hbm>>
      tpu.wait_dma2 semaphore(%run_scoped3A : memref<!tpu.dma_semaphore, #tpu.memory_space<semaphore_mem>>) src(%dma_wait3A_60 : memref<200xi32, #tpu.memory_space<hbm>>) dst(%arg6 : memref<200xi32, #tpu.memory_space<vmem>>)
      tpu.yield
    }) : () -> ()
    %dma_start3A = arith.constant 0 : i32
    %dma_start3A_5 = arith.constant 0 : i32
    %dma_start3A_6 = tpu.memref_slice %arg2[%dma_start3A, %dma_start3A_5] : memref<1000000x128xf32, #tpu.memory_space<hbm>> -> memref<1000000x128xf32, #tpu.memory_space<hbm>>
    tpu.enqueue_indirect_dma source(%dma_start3A_6 : memref<1000000x128xf32, #tpu.memory_space<hbm>>) target(%arg8 : memref<200x128xf32, #tpu.memory_space<vmem>>) offsets(%arg6 : memref<200xi32, #tpu.memory_space<vmem>>) semaphore(%arg11 : memref<!tpu.dma_semaphore, #tpu.memory_space<semaphore_mem>>)
    %add3A_7 = arith.constant 1 : i32
    %add3A_8 = arith.addi %mul3A_2, %add3A_7 : i32
    "tpu.region"() ({
      %run_scoped3A = tpu.sem_alloc : memref<!tpu.dma_semaphore, #tpu.memory_space<semaphore_mem>>
      %dma_start3A_49 = arith.constant 0 : i32
      %dma_start3A_50 = tpu.memref_slice %arg3[%add3A_8, %dma_start3A_49] : memref<1024x200xi32, #tpu.memory_space<hbm>> -> memref<1x200xi32, #tpu.memory_space<hbm>>
      %dma_start3A_51 = tpu.memref_squeeze %dma_start3A_50 : memref<1x200xi32, #tpu.memory_space<hbm>> -> memref<200xi32, #tpu.memory_space<hbm>>
      %dma_start3A_52 = arith.constant 0 : i32
      %dma_start3A_53 = tpu.memref_slice %arg3[%add3A_8, %dma_start3A_52] : memref<1024x200xi32, #tpu.memory_space<hbm>> -> memref<1x200xi32, #tpu.memory_space<hbm>>
      %dma_start3A_54 = tpu.memref_squeeze %dma_start3A_53 : memref<1x200xi32, #tpu.memory_space<hbm>> -> memref<200xi32, #tpu.memory_space<hbm>>
      tpu.enqueue_dma source(%dma_start3A_54 : memref<200xi32, #tpu.memory_space<hbm>>) target(%arg7 : memref<200xi32, #tpu.memory_space<vmem>>) target_semaphore(%run_scoped3A : memref<!tpu.dma_semaphore, #tpu.memory_space<semaphore_mem>>)
      %dma_wait3A_55 = arith.constant 0 : i32
      %dma_wait3A_56 = tpu.memref_slice %arg3[%add3A_8, %dma_wait3A_55] : memref<1024x200xi32, #tpu.memory_space<hbm>> -> memref<1x200xi32, #tpu.memory_space<hbm>>
      %dma_wait3A_57 = tpu.memref_squeeze %dma_wait3A_56 : memref<1x200xi32, #tpu.memory_space<hbm>> -> memref<200xi32, #tpu.memory_space<hbm>>
      %dma_wait3A_58 = arith.constant 0 : i32
      %dma_wait3A_59 = tpu.memref_slice %arg3[%add3A_8, %dma_wait3A_58] : memref<1024x200xi32, #tpu.memory_space<hbm>> -> memref<1x200xi32, #tpu.memory_space<hbm>>
      %dma_wait3A_60 = tpu.memref_squeeze %dma_wait3A_59 : memref<1x200xi32, #tpu.memory_space<hbm>> -> memref<200xi32, #tpu.memory_space<hbm>>
      tpu.wait_dma2 semaphore(%run_scoped3A : memref<!tpu.dma_semaphore, #tpu.memory_space<semaphore_mem>>) src(%dma_wait3A_60 : memref<200xi32, #tpu.memory_space<hbm>>) dst(%arg7 : memref<200xi32, #tpu.memory_space<vmem>>)
      tpu.yield
    }) : () -> ()
    %dma_start3A_9 = arith.constant 0 : i32
    %dma_start3A_10 = arith.constant 0 : i32
    %dma_start3A_11 = tpu.memref_slice %arg2[%dma_start3A_9, %dma_start3A_10] : memref<1000000x128xf32, #tpu.memory_space<hbm>> -> memref<1000000x128xf32, #tpu.memory_space<hbm>>
    tpu.enqueue_indirect_dma source(%dma_start3A_11 : memref<1000000x128xf32, #tpu.memory_space<hbm>>) target(%arg9 : memref<200x128xf32, #tpu.memory_space<vmem>>) offsets(%arg7 : memref<200xi32, #tpu.memory_space<vmem>>) semaphore(%arg12 : memref<!tpu.dma_semaphore, #tpu.memory_space<semaphore_mem>>)
    %scan3A = arith.constant 0 : i32
    %scan3A_12 = arith.constant 0 : i32
    %scan3A_13 = arith.constant 16 : i32
    %scan3A_14 = arith.addi %scan3A_12, %scan3A_13 : i32
    %scan3A_15 = arith.constant 1 : i32
    %scan3A_16 = scf.for %scan3A_49 = %scan3A_12 to %scan3A_14 step %scan3A_15 iter_args(%scan3A_50 = %scan3A) -> (i32)  : i32 {
      %mul3A_51 = arith.constant 2 : i32
      %mul3A_52 = arith.muli %mul3A_51, %scan3A_49 : i32
      %add3A_53 = arith.constant 0 : i32
      %add3A_54 = arith.addi %mul3A_52, %add3A_53 : i32
      %dma_wait3A_55 = arith.constant 0 : i32
      %dma_wait3A_56 = arith.constant 0 : i32
      %dma_wait3A_57 = tpu.memref_slice %arg2[%dma_wait3A_55, %dma_wait3A_56] : memref<1000000x128xf32, #tpu.memory_space<hbm>> -> memref<1000000x128xf32, #tpu.memory_space<hbm>>
      tpu.wait_indirect_dma semaphore(%arg11 : memref<!tpu.dma_semaphore, #tpu.memory_space<semaphore_mem>>) src(%dma_wait3A_57 : memref<1000000x128xf32, #tpu.memory_space<hbm>>) dst(%arg8 : memref<200x128xf32, #tpu.memory_space<vmem>>)
      %scan3A_58 = arith.constant 0 : i32
      %scan3A_59 = arith.constant 0 : i32
      %scan3A_60 = arith.constant 50 : i32
      %scan3A_61 = arith.addi %scan3A_59, %scan3A_60 : i32
      %scan3A_62 = arith.constant 1 : i32
      %scan3A_63 = scf.for %scan3A_121 = %scan3A_59 to %scan3A_61 step %scan3A_62 iter_args(%scan3A_122 = %scan3A_58) -> (i32)  : i32 {
        %mul3A_123 = arith.constant 4 : i32
        %mul3A_124 = arith.muli %scan3A_121, %mul3A_123 : i32
        %add3A_125 = arith.constant 0 : i32
        %add3A_126 = arith.addi %mul3A_124, %add3A_125 : i32
        %get3A = arith.index_cast %add3A_126 : i32 to index
        %get3A_127 = arith.constant 0 : index
        %get3A_128 = tpu.vector_load %arg8[%get3A, %get3A_127] {strides = array<i32>} : memref<200x128xf32, #tpu.memory_space<vmem>>, vector<1x16xf32>,
        %get3A_129 = vector.shape_cast %get3A_128 : vector<1x16xf32> to vector<16xf32>
        %get3A_130 = arith.index_cast %add3A_126 : i32 to index
        %get3A_131 = arith.constant 0 : index
        %get3A_132 = tpu.vector_load %arg10[%get3A_130, %get3A_131] {strides = array<i32>} : memref<200x64xf32, #tpu.memory_space<vmem>>, vector<1x16xf32>,
        %get3A_133 = vector.shape_cast %get3A_132 : vector<1x16xf32> to vector<16xf32>
        %add3A_134 = arith.addf %get3A_129, %get3A_133 : vector<16xf32>
        %swap3A = arith.index_cast %add3A_126 : i32 to index
        %swap3A_135 = arith.constant 0 : index
        %swap3A_136 = tpu.vector_load %arg8[%swap3A, %swap3A_135] {strides = array<i32>} : memref<200x128xf32, #tpu.memory_space<vmem>>, vector<1x16xf32>,
        %swap3A_137 = vector.shape_cast %swap3A_136 : vector<1x16xf32> to vector<16xf32>
        %swap3A_138 = vector.shape_cast %add3A_134 : vector<16xf32> to vector<1x16xf32>
        tpu.vector_store %arg8[%swap3A, %swap3A_135], %swap3A_138 {strides = array<i32>} : memref<200x128xf32, #tpu.memory_space<vmem>>, vector<1x16xf32>,
        %get3A_139 = arith.index_cast %add3A_126 : i32 to index
        %get3A_140 = arith.constant 16 : index
        %get3A_141 = tpu.vector_load %arg8[%get3A_139, %get3A_140] {strides = array<i32>} : memref<200x128xf32, #tpu.memory_space<vmem>>, vector<1x16xf32>,
        %get3A_142 = vector.shape_cast %get3A_141 : vector<1x16xf32> to vector<16xf32>
        %get3A_143 = arith.index_cast %add3A_126 : i32 to index
        %get3A_144 = arith.constant 16 : index
        %get3A_145 = tpu.vector_load %arg10[%get3A_143, %get3A_144] {strides = array<i32>} : memref<200x64xf32, #tpu.memory_space<vmem>>, vector<1x16xf32>,
        %get3A_146 = vector.shape_cast %get3A_145 : vector<1x16xf32> to vector<16xf32>
        %add3A_147 = arith.addf %get3A_142, %get3A_146 : vector<16xf32>
        %swap3A_148 = arith.index_cast %add3A_126 : i32 to index
        %swap3A_149 = arith.constant 16 : index
        %swap3A_150 = tpu.vector_load %arg8[%swap3A_148, %swap3A_149] {strides = array<i32>} : memref<200x128xf32, #tpu.memory_space<vmem>>, vector<1x16xf32>,
        %swap3A_151 = vector.shape_cast %swap3A_150 : vector<1x16xf32> to vector<16xf32>
        %swap3A_152 = vector.shape_cast %add3A_147 : vector<16xf32> to vector<1x16xf32>
        tpu.vector_store %arg8[%swap3A_148, %swap3A_149], %swap3A_152 {strides = array<i32>} : memref<200x128xf32, #tpu.memory_space<vmem>>, vector<1x16xf32>,
        %get3A_153 = arith.index_cast %add3A_126 : i32 to index
        %get3A_154 = arith.constant 32 : index
        %get3A_155 = tpu.vector_load %arg8[%get3A_153, %get3A_154] {strides = array<i32>} : memref<200x128xf32, #tpu.memory_space<vmem>>, vector<1x16xf32>,
        %get3A_156 = vector.shape_cast %get3A_155 : vector<1x16xf32> to vector<16xf32>
        %get3A_157 = arith.index_cast %add3A_126 : i32 to index
        %get3A_158 = arith.constant 32 : index
        %get3A_159 = tpu.vector_load %arg10[%get3A_157, %get3A_158] {strides = array<i32>} : memref<200x64xf32, #tpu.memory_space<vmem>>, vector<1x16xf32>,
        %get3A_160 = vector.shape_cast %get3A_159 : vector<1x16xf32> to vector<16xf32>
        %add3A_161 = arith.addf %get3A_156, %get3A_160 : vector<16xf32>
        %swap3A_162 = arith.index_cast %add3A_126 : i32 to index
        %swap3A_163 = arith.constant 32 : index
        %swap3A_164 = tpu.vector_load %arg8[%swap3A_162, %swap3A_163] {strides = array<i32>} : memref<200x128xf32, #tpu.memory_space<vmem>>, vector<1x16xf32>,
        %swap3A_165 = vector.shape_cast %swap3A_164 : vector<1x16xf32> to vector<16xf32>
        %swap3A_166 = vector.shape_cast %add3A_161 : vector<16xf32> to vector<1x16xf32>
        tpu.vector_store %arg8[%swap3A_162, %swap3A_163], %swap3A_166 {strides = array<i32>} : memref<200x128xf32, #tpu.memory_space<vmem>>, vector<1x16xf32>,
        %get3A_167 = arith.index_cast %add3A_126 : i32 to index
        %get3A_168 = arith.constant 48 : index
        %get3A_169 = tpu.vector_load %arg8[%get3A_167, %get3A_168] {strides = array<i32>} : memref<200x128xf32, #tpu.memory_space<vmem>>, vector<1x16xf32>,
        %get3A_170 = vector.shape_cast %get3A_169 : vector<1x16xf32> to vector<16xf32>
        %get3A_171 = arith.index_cast %add3A_126 : i32 to index
        %get3A_172 = arith.constant 48 : index
        %get3A_173 = tpu.vector_load %arg10[%get3A_171, %get3A_172] {strides = array<i32>} : memref<200x64xf32, #tpu.memory_space<vmem>>, vector<1x16xf32>,
        %get3A_174 = vector.shape_cast %get3A_173 : vector<1x16xf32> to vector<16xf32>
        %add3A_175 = arith.addf %get3A_170, %get3A_174 : vector<16xf32>
        %swap3A_176 = arith.index_cast %add3A_126 : i32 to index
        %swap3A_177 = arith.constant 48 : index
        %swap3A_178 = tpu.vector_load %arg8[%swap3A_176, %swap3A_177] {strides = array<i32>} : memref<200x128xf32, #tpu.memory_space<vmem>>, vector<1x16xf32>,
        %swap3A_179 = vector.shape_cast %swap3A_178 : vector<1x16xf32> to vector<16xf32>
        %swap3A_180 = vector.shape_cast %add3A_175 : vector<16xf32> to vector<1x16xf32>
        tpu.vector_store %arg8[%swap3A_176, %swap3A_177], %swap3A_180 {strides = array<i32>} : memref<200x128xf32, #tpu.memory_space<vmem>>, vector<1x16xf32>,
        %mul3A_181 = arith.constant 4 : i32
        %mul3A_182 = arith.muli %scan3A_121, %mul3A_181 : i32
        %add3A_183 = arith.constant 1 : i32
        %add3A_184 = arith.addi %mul3A_182, %add3A_183 : i32
        %get3A_185 = arith.index_cast %add3A_184 : i32 to index
        %get3A_186 = arith.constant 0 : index
        %get3A_187 = tpu.vector_load %arg8[%get3A_185, %get3A_186] {strides = array<i32>} : memref<200x128xf32, #tpu.memory_space<vmem>>, vector<1x16xf32>,
        %get3A_188 = vector.shape_cast %get3A_187 : vector<1x16xf32> to vector<16xf32>
        %get3A_189 = arith.index_cast %add3A_184 : i32 to index
        %get3A_190 = arith.constant 0 : index
        %get3A_191 = tpu.vector_load %arg10[%get3A_189, %get3A_190] {strides = array<i32>} : memref<200x64xf32, #tpu.memory_space<vmem>>, vector<1x16xf32>,
        %get3A_192 = vector.shape_cast %get3A_191 : vector<1x16xf32> to vector<16xf32>
        %add3A_193 = arith.addf %get3A_188, %get3A_192 : vector<16xf32>
        %swap3A_194 = arith.index_cast %add3A_184 : i32 to index
        %swap3A_195 = arith.constant 0 : index
        %swap3A_196 = tpu.vector_load %arg8[%swap3A_194, %swap3A_195] {strides = array<i32>} : memref<200x128xf32, #tpu.memory_space<vmem>>, vector<1x16xf32>,
        %swap3A_197 = vector.shape_cast %swap3A_196 : vector<1x16xf32> to vector<16xf32>
        %swap3A_198 = vector.shape_cast %add3A_193 : vector<16xf32> to vector<1x16xf32>
        tpu.vector_store %arg8[%swap3A_194, %swap3A_195], %swap3A_198 {strides = array<i32>} : memref<200x128xf32, #tpu.memory_space<vmem>>, vector<1x16xf32>,
        %get3A_199 = arith.index_cast %add3A_184 : i32 to index
        %get3A_200 = arith.constant 16 : index
        %get3A_201 = tpu.vector_load %arg8[%get3A_199, %get3A_200] {strides = array<i32>} : memref<200x128xf32, #tpu.memory_space<vmem>>, vector<1x16xf32>,
        %get3A_202 = vector.shape_cast %get3A_201 : vector<1x16xf32> to vector<16xf32>
        %get3A_203 = arith.index_cast %add3A_184 : i32 to index
        %get3A_204 = arith.constant 16 : index
        %get3A_205 = tpu.vector_load %arg10[%get3A_203, %get3A_204] {strides = array<i32>} : memref<200x64xf32, #tpu.memory_space<vmem>>, vector<1x16xf32>,
        %get3A_206 = vector.shape_cast %get3A_205 : vector<1x16xf32> to vector<16xf32>
        %add3A_207 = arith.addf %get3A_202, %get3A_206 : vector<16xf32>
        %swap3A_208 = arith.index_cast %add3A_184 : i32 to index
        %swap3A_209 = arith.constant 16 : index
        %swap3A_210 = tpu.vector_load %arg8[%swap3A_208, %swap3A_209] {strides = array<i32>} : memref<200x128xf32, #tpu.memory_space<vmem>>, vector<1x16xf32>,
        %swap3A_211 = vector.shape_cast %swap3A_210 : vector<1x16xf32> to vector<16xf32>
        %swap3A_212 = vector.shape_cast %add3A_207 : vector<16xf32> to vector<1x16xf32>
        tpu.vector_store %arg8[%swap3A_208, %swap3A_209], %swap3A_212 {strides = array<i32>} : memref<200x128xf32, #tpu.memory_space<vmem>>, vector<1x16xf32>,
        %get3A_213 = arith.index_cast %add3A_184 : i32 to index
        %get3A_214 = arith.constant 32 : index
        %get3A_215 = tpu.vector_load %arg8[%get3A_213, %get3A_214] {strides = array<i32>} : memref<200x128xf32, #tpu.memory_space<vmem>>, vector<1x16xf32>,
        %get3A_216 = vector.shape_cast %get3A_215 : vector<1x16xf32> to vector<16xf32>
        %get3A_217 = arith.index_cast %add3A_184 : i32 to index
        %get3A_218 = arith.constant 32 : index
        %get3A_219 = tpu.vector_load %arg10[%get3A_217, %get3A_218] {strides = array<i32>} : memref<200x64xf32, #tpu.memory_space<vmem>>, vector<1x16xf32>,
        %get3A_220 = vector.shape_cast %get3A_219 : vector<1x16xf32> to vector<16xf32>
        %add3A_221 = arith.addf %get3A_216, %get3A_220 : vector<16xf32>
        %swap3A_222 = arith.index_cast %add3A_184 : i32 to index
        %swap3A_223 = arith.constant 32 : index
        %swap3A_224 = tpu.vector_load %arg8[%swap3A_222, %swap3A_223] {strides = array<i32>} : memref<200x128xf32, #tpu.memory_space<vmem>>, vector<1x16xf32>,
        %swap3A_225 = vector.shape_cast %swap3A_224 : vector<1x16xf32> to vector<16xf32>
        %swap3A_226 = vector.shape_cast %add3A_221 : vector<16xf32> to vector<1x16xf32>
        tpu.vector_store %arg8[%swap3A_222, %swap3A_223], %swap3A_226 {strides = array<i32>} : memref<200x128xf32, #tpu.memory_space<vmem>>, vector<1x16xf32>,
        %get3A_227 = arith.index_cast %add3A_184 : i32 to index
        %get3A_228 = arith.constant 48 : index
        %get3A_229 = tpu.vector_load %arg8[%get3A_227, %get3A_228] {strides = array<i32>} : memref<200x128xf32, #tpu.memory_space<vmem>>, vector<1x16xf32>,
        %get3A_230 = vector.shape_cast %get3A_229 : vector<1x16xf32> to vector<16xf32>
        %get3A_231 = arith.index_cast %add3A_184 : i32 to index
        %get3A_232 = arith.constant 48 : index
        %get3A_233 = tpu.vector_load %arg10[%get3A_231, %get3A_232] {strides = array<i32>} : memref<200x64xf32, #tpu.memory_space<vmem>>, vector<1x16xf32>,
        %get3A_234 = vector.shape_cast %get3A_233 : vector<1x16xf32> to vector<16xf32>
        %add3A_235 = arith.addf %get3A_230, %get3A_234 : vector<16xf32>
        %swap3A_236 = arith.index_cast %add3A_184 : i32 to index
        %swap3A_237 = arith.constant 48 : index
        %swap3A_238 = tpu.vector_load %arg8[%swap3A_236, %swap3A_237] {strides = array<i32>} : memref<200x128xf32, #tpu.memory_space<vmem>>, vector<1x16xf32>,
        %swap3A_239 = vector.shape_cast %swap3A_238 : vector<1x16xf32> to vector<16xf32>
        %swap3A_240 = vector.shape_cast %add3A_235 : vector<16xf32> to vector<1x16xf32>
        tpu.vector_store %arg8[%swap3A_236, %swap3A_237], %swap3A_240 {strides = array<i32>} : memref<200x128xf32, #tpu.memory_space<vmem>>, vector<1x16xf32>,
        %mul3A_241 = arith.constant 4 : i32
        %mul3A_242 = arith.muli %scan3A_121, %mul3A_241 : i32
        %add3A_243 = arith.constant 2 : i32
        %add3A_244 = arith.addi %mul3A_242, %add3A_243 : i32
        %get3A_245 = arith.index_cast %add3A_244 : i32 to index
        %get3A_246 = arith.constant 0 : index
        %get3A_247 = tpu.vector_load %arg8[%get3A_245, %get3A_246] {strides = array<i32>} : memref<200x128xf32, #tpu.memory_space<vmem>>, vector<1x16xf32>,
        %get3A_248 = vector.shape_cast %get3A_247 : vector<1x16xf32> to vector<16xf32>
        %get3A_249 = arith.index_cast %add3A_244 : i32 to index
        %get3A_250 = arith.constant 0 : index
        %get3A_251 = tpu.vector_load %arg10[%get3A_249, %get3A_250] {strides = array<i32>} : memref<200x64xf32, #tpu.memory_space<vmem>>, vector<1x16xf32>,
        %get3A_252 = vector.shape_cast %get3A_251 : vector<1x16xf32> to vector<16xf32>
        %add3A_253 = arith.addf %get3A_248, %get3A_252 : vector<16xf32>
        %swap3A_254 = arith.index_cast %add3A_244 : i32 to index
        %swap3A_255 = arith.constant 0 : index
        %swap3A_256 = tpu.vector_load %arg8[%swap3A_254, %swap3A_255] {strides = array<i32>} : memref<200x128xf32, #tpu.memory_space<vmem>>, vector<1x16xf32>,
        %swap3A_257 = vector.shape_cast %swap3A_256 : vector<1x16xf32> to vector<16xf32>
        %swap3A_258 = vector.shape_cast %add3A_253 : vector<16xf32> to vector<1x16xf32>
        tpu.vector_store %arg8[%swap3A_254, %swap3A_255], %swap3A_258 {strides = array<i32>} : memref<200x128xf32, #tpu.memory_space<vmem>>, vector<1x16xf32>,
        %get3A_259 = arith.index_cast %add3A_244 : i32 to index
        %get3A_260 = arith.constant 16 : index
        %get3A_261 = tpu.vector_load %arg8[%get3A_259, %get3A_260] {strides = array<i32>} : memref<200x128xf32, #tpu.memory_space<vmem>>, vector<1x16xf32>,
        %get3A_262 = vector.shape_cast %get3A_261 : vector<1x16xf32> to vector<16xf32>
        %get3A_263 = arith.index_cast %add3A_244 : i32 to index
        %get3A_264 = arith.constant 16 : index
        %get3A_265 = tpu.vector_load %arg10[%get3A_263, %get3A_264] {strides = array<i32>} : memref<200x64xf32, #tpu.memory_space<vmem>>, vector<1x16xf32>,
        %get3A_266 = vector.shape_cast %get3A_265 : vector<1x16xf32> to vector<16xf32>
        %add3A_267 = arith.addf %get3A_262, %get3A_266 : vector<16xf32>
        %swap3A_268 = arith.index_cast %add3A_244 : i32 to index
        %swap3A_269 = arith.constant 16 : index
        %swap3A_270 = tpu.vector_load %arg8[%swap3A_268, %swap3A_269] {strides = array<i32>} : memref<200x128xf32, #tpu.memory_space<vmem>>, vector<1x16xf32>,
        %swap3A_271 = vector.shape_cast %swap3A_270 : vector<1x16xf32> to vector<16xf32>
        %swap3A_272 = vector.shape_cast %add3A_267 : vector<16xf32> to vector<1x16xf32>
        tpu.vector_store %arg8[%swap3A_268, %swap3A_269], %swap3A_272 {strides = array<i32>} : memref<200x128xf32, #tpu.memory_space<vmem>>, vector<1x16xf32>,
        %get3A_273 = arith.index_cast %add3A_244 : i32 to index
        %get3A_274 = arith.constant 32 : index
        %get3A_275 = tpu.vector_load %arg8[%get3A_273, %get3A_274] {strides = array<i32>} : memref<200x128xf32, #tpu.memory_space<vmem>>, vector<1x16xf32>,
        %get3A_276 = vector.shape_cast %get3A_275 : vector<1x16xf32> to vector<16xf32>
        %get3A_277 = arith.index_cast %add3A_244 : i32 to index
        %get3A_278 = arith.constant 32 : index
        %get3A_279 = tpu.vector_load %arg10[%get3A_277, %get3A_278] {strides = array<i32>} : memref<200x64xf32, #tpu.memory_space<vmem>>, vector<1x16xf32>,
        %get3A_280 = vector.shape_cast %get3A_279 : vector<1x16xf32> to vector<16xf32>
        %add3A_281 = arith.addf %get3A_276, %get3A_280 : vector<16xf32>
        %swap3A_282 = arith.index_cast %add3A_244 : i32 to index
        %swap3A_283 = arith.constant 32 : index
        %swap3A_284 = tpu.vector_load %arg8[%swap3A_282, %swap3A_283] {strides = array<i32>} : memref<200x128xf32, #tpu.memory_space<vmem>>, vector<1x16xf32>,
        %swap3A_285 = vector.shape_cast %swap3A_284 : vector<1x16xf32> to vector<16xf32>
        %swap3A_286 = vector.shape_cast %add3A_281 : vector<16xf32> to vector<1x16xf32>
        tpu.vector_store %arg8[%swap3A_282, %swap3A_283], %swap3A_286 {strides = array<i32>} : memref<200x128xf32, #tpu.memory_space<vmem>>, vector<1x16xf32>,
        %get3A_287 = arith.index_cast %add3A_244 : i32 to index
        %get3A_288 = arith.constant 48 : index
        %get3A_289 = tpu.vector_load %arg8[%get3A_287, %get3A_288] {strides = array<i32>} : memref<200x128xf32, #tpu.memory_space<vmem>>, vector<1x16xf32>,
        %get3A_290 = vector.shape_cast %get3A_289 : vector<1x16xf32> to vector<16xf32>
        %get3A_291 = arith.index_cast %add3A_244 : i32 to index
        %get3A_292 = arith.constant 48 : index
        %get3A_293 = tpu.vector_load %arg10[%get3A_291, %get3A_292] {strides = array<i32>} : memref<200x64xf32, #tpu.memory_space<vmem>>, vector<1x16xf32>,
        %get3A_294 = vector.shape_cast %get3A_293 : vector<1x16xf32> to vector<16xf32>
        %add3A_295 = arith.addf %get3A_290, %get3A_294 : vector<16xf32>
        %swap3A_296 = arith.index_cast %add3A_244 : i32 to index
        %swap3A_297 = arith.constant 48 : index
        %swap3A_298 = tpu.vector_load %arg8[%swap3A_296, %swap3A_297] {strides = array<i32>} : memref<200x128xf32, #tpu.memory_space<vmem>>, vector<1x16xf32>,
        %swap3A_299 = vector.shape_cast %swap3A_298 : vector<1x16xf32> to vector<16xf32>
        %swap3A_300 = vector.shape_cast %add3A_295 : vector<16xf32> to vector<1x16xf32>
        tpu.vector_store %arg8[%swap3A_296, %swap3A_297], %swap3A_300 {strides = array<i32>} : memref<200x128xf32, #tpu.memory_space<vmem>>, vector<1x16xf32>,
        %mul3A_301 = arith.constant 4 : i32
        %mul3A_302 = arith.muli %scan3A_121, %mul3A_301 : i32
        %add3A_303 = arith.constant 3 : i32
        %add3A_304 = arith.addi %mul3A_302, %add3A_303 : i32
        %get3A_305 = arith.index_cast %add3A_304 : i32 to index
        %get3A_306 = arith.constant 0 : index
        %get3A_307 = tpu.vector_load %arg8[%get3A_305, %get3A_306] {strides = array<i32>} : memref<200x128xf32, #tpu.memory_space<vmem>>, vector<1x16xf32>,
        %get3A_308 = vector.shape_cast %get3A_307 : vector<1x16xf32> to vector<16xf32>
        %get3A_309 = arith.index_cast %add3A_304 : i32 to index
        %get3A_310 = arith.constant 0 : index
        %get3A_311 = tpu.vector_load %arg10[%get3A_309, %get3A_310] {strides = array<i32>} : memref<200x64xf32, #tpu.memory_space<vmem>>, vector<1x16xf32>,
        %get3A_312 = vector.shape_cast %get3A_311 : vector<1x16xf32> to vector<16xf32>
        %add3A_313 = arith.addf %get3A_308, %get3A_312 : vector<16xf32>
        %swap3A_314 = arith.index_cast %add3A_304 : i32 to index
        %swap3A_315 = arith.constant 0 : index
        %swap3A_316 = tpu.vector_load %arg8[%swap3A_314, %swap3A_315] {strides = array<i32>} : memref<200x128xf32, #tpu.memory_space<vmem>>, vector<1x16xf32>,
        %swap3A_317 = vector.shape_cast %swap3A_316 : vector<1x16xf32> to vector<16xf32>
        %swap3A_318 = vector.shape_cast %add3A_313 : vector<16xf32> to vector<1x16xf32>
        tpu.vector_store %arg8[%swap3A_314, %swap3A_315], %swap3A_318 {strides = array<i32>} : memref<200x128xf32, #tpu.memory_space<vmem>>, vector<1x16xf32>,
        %get3A_319 = arith.index_cast %add3A_304 : i32 to index
        %get3A_320 = arith.constant 16 : index
        %get3A_321 = tpu.vector_load %arg8[%get3A_319, %get3A_320] {strides = array<i32>} : memref<200x128xf32, #tpu.memory_space<vmem>>, vector<1x16xf32>,
        %get3A_322 = vector.shape_cast %get3A_321 : vector<1x16xf32> to vector<16xf32>
        %get3A_323 = arith.index_cast %add3A_304 : i32 to index
        %get3A_324 = arith.constant 16 : index
        %get3A_325 = tpu.vector_load %arg10[%get3A_323, %get3A_324] {strides = array<i32>} : memref<200x64xf32, #tpu.memory_space<vmem>>, vector<1x16xf32>,
        %get3A_326 = vector.shape_cast %get3A_325 : vector<1x16xf32> to vector<16xf32>
        %add3A_327 = arith.addf %get3A_322, %get3A_326 : vector<16xf32>
        %swap3A_328 = arith.index_cast %add3A_304 : i32 to index
        %swap3A_329 = arith.constant 16 : index
        %swap3A_330 = tpu.vector_load %arg8[%swap3A_328, %swap3A_329] {strides = array<i32>} : memref<200x128xf32, #tpu.memory_space<vmem>>, vector<1x16xf32>,
        %swap3A_331 = vector.shape_cast %swap3A_330 : vector<1x16xf32> to vector<16xf32>
        %swap3A_332 = vector.shape_cast %add3A_327 : vector<16xf32> to vector<1x16xf32>
        tpu.vector_store %arg8[%swap3A_328, %swap3A_329], %swap3A_332 {strides = array<i32>} : memref<200x128xf32, #tpu.memory_space<vmem>>, vector<1x16xf32>,
        %get3A_333 = arith.index_cast %add3A_304 : i32 to index
        %get3A_334 = arith.constant 32 : index
        %get3A_335 = tpu.vector_load %arg8[%get3A_333, %get3A_334] {strides = array<i32>} : memref<200x128xf32, #tpu.memory_space<vmem>>, vector<1x16xf32>,
        %get3A_336 = vector.shape_cast %get3A_335 : vector<1x16xf32> to vector<16xf32>
        %get3A_337 = arith.index_cast %add3A_304 : i32 to index
        %get3A_338 = arith.constant 32 : index
        %get3A_339 = tpu.vector_load %arg10[%get3A_337, %get3A_338] {strides = array<i32>} : memref<200x64xf32, #tpu.memory_space<vmem>>, vector<1x16xf32>,
        %get3A_340 = vector.shape_cast %get3A_339 : vector<1x16xf32> to vector<16xf32>
        %add3A_341 = arith.addf %get3A_336, %get3A_340 : vector<16xf32>
        %swap3A_342 = arith.index_cast %add3A_304 : i32 to index
        %swap3A_343 = arith.constant 32 : index
        %swap3A_344 = tpu.vector_load %arg8[%swap3A_342, %swap3A_343] {strides = array<i32>} : memref<200x128xf32, #tpu.memory_space<vmem>>, vector<1x16xf32>,
        %swap3A_345 = vector.shape_cast %swap3A_344 : vector<1x16xf32> to vector<16xf32>
        %swap3A_346 = vector.shape_cast %add3A_341 : vector<16xf32> to vector<1x16xf32>
        tpu.vector_store %arg8[%swap3A_342, %swap3A_343], %swap3A_346 {strides = array<i32>} : memref<200x128xf32, #tpu.memory_space<vmem>>, vector<1x16xf32>,
        %get3A_347 = arith.index_cast %add3A_304 : i32 to index
        %get3A_348 = arith.constant 48 : index
        %get3A_349 = tpu.vector_load %arg8[%get3A_347, %get3A_348] {strides = array<i32>} : memref<200x128xf32, #tpu.memory_space<vmem>>, vector<1x16xf32>,
        %get3A_350 = vector.shape_cast %get3A_349 : vector<1x16xf32> to vector<16xf32>
        %get3A_351 = arith.index_cast %add3A_304 : i32 to index
        %get3A_352 = arith.constant 48 : index
        %get3A_353 = tpu.vector_load %arg10[%get3A_351, %get3A_352] {strides = array<i32>} : memref<200x64xf32, #tpu.memory_space<vmem>>, vector<1x16xf32>,
        %get3A_354 = vector.shape_cast %get3A_353 : vector<1x16xf32> to vector<16xf32>
        %add3A_355 = arith.addf %get3A_350, %get3A_354 : vector<16xf32>
        %swap3A_356 = arith.index_cast %add3A_304 : i32 to index
        %swap3A_357 = arith.constant 48 : index
        %swap3A_358 = tpu.vector_load %arg8[%swap3A_356, %swap3A_357] {strides = array<i32>} : memref<200x128xf32, #tpu.memory_space<vmem>>, vector<1x16xf32>,
        %swap3A_359 = vector.shape_cast %swap3A_358 : vector<1x16xf32> to vector<16xf32>
        %swap3A_360 = vector.shape_cast %add3A_355 : vector<16xf32> to vector<1x16xf32>
        tpu.vector_store %arg8[%swap3A_356, %swap3A_357], %swap3A_360 {strides = array<i32>} : memref<200x128xf32, #tpu.memory_space<vmem>>, vector<1x16xf32>,
        %scan3A_361 = arith.constant 0 : i32
        scf.yield %scan3A_361 : i32
      }
      %scan3A_64 = arith.constant 50 : i32
      %add3A_65 = arith.addi %mul3A_2, %add3A_54 : i32
      %dma_start3A_66 = arith.constant 0 : i32
      %dma_start3A_67 = arith.constant 0 : i32
      %dma_start3A_68 = tpu.memref_slice %arg8[%dma_start3A_66, %dma_start3A_67] : memref<200x128xf32, #tpu.memory_space<vmem>> -> memref<200x64xf32, #tpu.memory_space<vmem>>
      %dma_start3A_69 = arith.constant 0 : i32
      %dma_start3A_70 = arith.constant 0 : i32
      %dma_start3A_71 = tpu.memref_slice %arg5[%add3A_65, %dma_start3A_69, %dma_start3A_70] : memref<1024x200x64xf32, #tpu.memory_space<hbm>> -> memref<1x200x64xf32, #tpu.memory_space<hbm>>
      %dma_start3A_72 = tpu.memref_squeeze %dma_start3A_71 : memref<1x200x64xf32, #tpu.memory_space<hbm>> -> memref<200x64xf32, #tpu.memory_space<hbm>>
      %dma_start3A_73 = arith.constant 0 : i32
      %dma_start3A_74 = arith.constant 0 : i32
      %dma_start3A_75 = tpu.memref_slice %arg5[%add3A_65, %dma_start3A_73, %dma_start3A_74] : memref<1024x200x64xf32, #tpu.memory_space<hbm>> -> memref<1x200x64xf32, #tpu.memory_space<hbm>>
      %dma_start3A_76 = tpu.memref_squeeze %dma_start3A_75 : memref<1x200x64xf32, #tpu.memory_space<hbm>> -> memref<200x64xf32, #tpu.memory_space<hbm>>
      %dma_start3A_77 = arith.constant 0 : i32
      %dma_start3A_78 = arith.constant 0 : i32
      %dma_start3A_79 = tpu.memref_slice %arg8[%dma_start3A_77, %dma_start3A_78] : memref<200x128xf32, #tpu.memory_space<vmem>> -> memref<200x64xf32, #tpu.memory_space<vmem>>
      tpu.enqueue_dma source(%dma_start3A_79 : memref<200x64xf32, #tpu.memory_space<vmem>>) target(%dma_start3A_76 : memref<200x64xf32, #tpu.memory_space<hbm>>) target_semaphore(%arg13 : memref<!tpu.dma_semaphore, #tpu.memory_space<semaphore_mem>>)
      %add3A_80 = arith.constant 2 : i32
      %add3A_81 = arith.addi %add3A_54, %add3A_80 : i32
      %lt3A = arith.constant 32 : i32
      %lt3A_82 = arith.cmpi slt, %add3A_81, %lt3A : i32
      %convert_element_type3A = arith.extui %lt3A_82 : i1 to i32
      %cond3A = arith.constant 0 : i32
      %cond3A_83 = arith.cmpi ne, %convert_element_type3A, %cond3A : i32
      scf.if %cond3A_83 {
        %add3A_121 = arith.addi %mul3A_2, %add3A_54 : i32
        %dma_wait3A_122 = arith.constant 0 : i32
        %dma_wait3A_123 = arith.constant 0 : i32
        %dma_wait3A_124 = tpu.memref_slice %arg8[%dma_wait3A_122, %dma_wait3A_123] : memref<200x128xf32, #tpu.memory_space<vmem>> -> memref<200x64xf32, #tpu.memory_space<vmem>>
        %dma_wait3A_125 = arith.constant 0 : i32
        %dma_wait3A_126 = arith.constant 0 : i32
        %dma_wait3A_127 = tpu.memref_slice %arg5[%add3A_121, %dma_wait3A_125, %dma_wait3A_126] : memref<1024x200x64xf32, #tpu.memory_space<hbm>> -> memref<1x200x64xf32, #tpu.memory_space<hbm>>
        %dma_wait3A_128 = tpu.memref_squeeze %dma_wait3A_127 : memref<1x200x64xf32, #tpu.memory_space<hbm>> -> memref<200x64xf32, #tpu.memory_space<hbm>>
        %dma_wait3A_129 = arith.constant 0 : i32
        %dma_wait3A_130 = arith.constant 0 : i32
        %dma_wait3A_131 = tpu.memref_slice %arg5[%add3A_121, %dma_wait3A_129, %dma_wait3A_130] : memref<1024x200x64xf32, #tpu.memory_space<hbm>> -> memref<1x200x64xf32, #tpu.memory_space<hbm>>
        %dma_wait3A_132 = tpu.memref_squeeze %dma_wait3A_131 : memref<1x200x64xf32, #tpu.memory_space<hbm>> -> memref<200x64xf32, #tpu.memory_space<hbm>>
        %dma_wait3A_133 = arith.constant 0 : i32
        %dma_wait3A_134 = arith.constant 0 : i32
        %dma_wait3A_135 = tpu.memref_slice %arg8[%dma_wait3A_133, %dma_wait3A_134] : memref<200x128xf32, #tpu.memory_space<vmem>> -> memref<200x64xf32, #tpu.memory_space<vmem>>
        tpu.wait_dma2 semaphore(%arg13 : memref<!tpu.dma_semaphore, #tpu.memory_space<semaphore_mem>>) src(%dma_wait3A_135 : memref<200x64xf32, #tpu.memory_space<vmem>>) dst(%dma_wait3A_132 : memref<200x64xf32, #tpu.memory_space<hbm>>)
        %add3A_136 = arith.constant 2 : i32
        %add3A_137 = arith.addi %add3A_54, %add3A_136 : i32
        %add3A_138 = arith.addi %mul3A_2, %add3A_137 : i32
        "tpu.region"() ({
          %run_scoped3A = tpu.sem_alloc : memref<!tpu.dma_semaphore, #tpu.memory_space<semaphore_mem>>
          %dma_start3A_142 = arith.constant 0 : i32
          %dma_start3A_143 = tpu.memref_slice %arg3[%add3A_138, %dma_start3A_142] : memref<1024x200xi32, #tpu.memory_space<hbm>> -> memref<1x200xi32, #tpu.memory_space<hbm>>
          %dma_start3A_144 = tpu.memref_squeeze %dma_start3A_143 : memref<1x200xi32, #tpu.memory_space<hbm>> -> memref<200xi32, #tpu.memory_space<hbm>>
          %dma_start3A_145 = arith.constant 0 : i32
          %dma_start3A_146 = tpu.memref_slice %arg3[%add3A_138, %dma_start3A_145] : memref<1024x200xi32, #tpu.memory_space<hbm>> -> memref<1x200xi32, #tpu.memory_space<hbm>>
          %dma_start3A_147 = tpu.memref_squeeze %dma_start3A_146 : memref<1x200xi32, #tpu.memory_space<hbm>> -> memref<200xi32, #tpu.memory_space<hbm>>
          tpu.enqueue_dma source(%dma_start3A_147 : memref<200xi32, #tpu.memory_space<hbm>>) target(%arg6 : memref<200xi32, #tpu.memory_space<vmem>>) target_semaphore(%run_scoped3A : memref<!tpu.dma_semaphore, #tpu.memory_space<semaphore_mem>>)
          %dma_wait3A_148 = arith.constant 0 : i32
          %dma_wait3A_149 = tpu.memref_slice %arg3[%add3A_138, %dma_wait3A_148] : memref<1024x200xi32, #tpu.memory_space<hbm>> -> memref<1x200xi32, #tpu.memory_space<hbm>>
          %dma_wait3A_150 = tpu.memref_squeeze %dma_wait3A_149 : memref<1x200xi32, #tpu.memory_space<hbm>> -> memref<200xi32, #tpu.memory_space<hbm>>
          %dma_wait3A_151 = arith.constant 0 : i32
          %dma_wait3A_152 = tpu.memref_slice %arg3[%add3A_138, %dma_wait3A_151] : memref<1024x200xi32, #tpu.memory_space<hbm>> -> memref<1x200xi32, #tpu.memory_space<hbm>>
          %dma_wait3A_153 = tpu.memref_squeeze %dma_wait3A_152 : memref<1x200xi32, #tpu.memory_space<hbm>> -> memref<200xi32, #tpu.memory_space<hbm>>
          tpu.wait_dma2 semaphore(%run_scoped3A : memref<!tpu.dma_semaphore, #tpu.memory_space<semaphore_mem>>) src(%dma_wait3A_153 : memref<200xi32, #tpu.memory_space<hbm>>) dst(%arg6 : memref<200xi32, #tpu.memory_space<vmem>>)
          tpu.yield
        }) : () -> ()
        %dma_start3A_139 = arith.constant 0 : i32
        %dma_start3A_140 = arith.constant 0 : i32
        %dma_start3A_141 = tpu.memref_slice %arg2[%dma_start3A_139, %dma_start3A_140] : memref<1000000x128xf32, #tpu.memory_space<hbm>> -> memref<1000000x128xf32, #tpu.memory_space<hbm>>
        tpu.enqueue_indirect_dma source(%dma_start3A_141 : memref<1000000x128xf32, #tpu.memory_space<hbm>>) target(%arg8 : memref<200x128xf32, #tpu.memory_space<vmem>>) offsets(%arg6 : memref<200xi32, #tpu.memory_space<vmem>>) semaphore(%arg11 : memref<!tpu.dma_semaphore, #tpu.memory_space<semaphore_mem>>)
      } else {
      }
      %mul3A_84 = arith.constant 2 : i32
      %mul3A_85 = arith.muli %mul3A_84, %scan3A_49 : i32
      %add3A_86 = arith.constant 1 : i32
      %add3A_87 = arith.addi %mul3A_85, %add3A_86 : i32
      %dma_wait3A_88 = arith.constant 0 : i32
      %dma_wait3A_89 = arith.constant 0 : i32
      %dma_wait3A_90 = tpu.memref_slice %arg2[%dma_wait3A_88, %dma_wait3A_89] : memref<1000000x128xf32, #tpu.memory_space<hbm>> -> memref<1000000x128xf32, #tpu.memory_space<hbm>>
      tpu.wait_indirect_dma semaphore(%arg12 : memref<!tpu.dma_semaphore, #tpu.memory_space<semaphore_mem>>) src(%dma_wait3A_90 : memref<1000000x128xf32, #tpu.memory_space<hbm>>) dst(%arg9 : memref<200x128xf32, #tpu.memory_space<vmem>>)
      %scan3A_91 = arith.constant 0 : i32
      %scan3A_92 = arith.constant 0 : i32
      %scan3A_93 = arith.constant 50 : i32
      %scan3A_94 = arith.addi %scan3A_92, %scan3A_93 : i32
      %scan3A_95 = arith.constant 1 : i32
      %scan3A_96 = scf.for %scan3A_121 = %scan3A_92 to %scan3A_94 step %scan3A_95 iter_args(%scan3A_122 = %scan3A_91) -> (i32)  : i32 {
        %mul3A_123 = arith.constant 4 : i32
        %mul3A_124 = arith.muli %scan3A_121, %mul3A_123 : i32
        %add3A_125 = arith.constant 0 : i32
        %add3A_126 = arith.addi %mul3A_124, %add3A_125 : i32
        %get3A = arith.index_cast %add3A_126 : i32 to index
        %get3A_127 = arith.constant 0 : index
        %get3A_128 = tpu.vector_load %arg9[%get3A, %get3A_127] {strides = array<i32>} : memref<200x128xf32, #tpu.memory_space<vmem>>, vector<1x16xf32>,
        %get3A_129 = vector.shape_cast %get3A_128 : vector<1x16xf32> to vector<16xf32>
        %get3A_130 = arith.index_cast %add3A_126 : i32 to index
        %get3A_131 = arith.constant 0 : index
        %get3A_132 = tpu.vector_load %arg10[%get3A_130, %get3A_131] {strides = array<i32>} : memref<200x64xf32, #tpu.memory_space<vmem>>, vector<1x16xf32>,
        %get3A_133 = vector.shape_cast %get3A_132 : vector<1x16xf32> to vector<16xf32>
        %add3A_134 = arith.addf %get3A_129, %get3A_133 : vector<16xf32>
        %swap3A = arith.index_cast %add3A_126 : i32 to index
        %swap3A_135 = arith.constant 0 : index
        %swap3A_136 = tpu.vector_load %arg9[%swap3A, %swap3A_135] {strides = array<i32>} : memref<200x128xf32, #tpu.memory_space<vmem>>, vector<1x16xf32>,
        %swap3A_137 = vector.shape_cast %swap3A_136 : vector<1x16xf32> to vector<16xf32>
        %swap3A_138 = vector.shape_cast %add3A_134 : vector<16xf32> to vector<1x16xf32>
        tpu.vector_store %arg9[%swap3A, %swap3A_135], %swap3A_138 {strides = array<i32>} : memref<200x128xf32, #tpu.memory_space<vmem>>, vector<1x16xf32>,
        %get3A_139 = arith.index_cast %add3A_126 : i32 to index
        %get3A_140 = arith.constant 16 : index
        %get3A_141 = tpu.vector_load %arg9[%get3A_139, %get3A_140] {strides = array<i32>} : memref<200x128xf32, #tpu.memory_space<vmem>>, vector<1x16xf32>,
        %get3A_142 = vector.shape_cast %get3A_141 : vector<1x16xf32> to vector<16xf32>
        %get3A_143 = arith.index_cast %add3A_126 : i32 to index
        %get3A_144 = arith.constant 16 : index
        %get3A_145 = tpu.vector_load %arg10[%get3A_143, %get3A_144] {strides = array<i32>} : memref<200x64xf32, #tpu.memory_space<vmem>>, vector<1x16xf32>,
        %get3A_146 = vector.shape_cast %get3A_145 : vector<1x16xf32> to vector<16xf32>
        %add3A_147 = arith.addf %get3A_142, %get3A_146 : vector<16xf32>
        %swap3A_148 = arith.index_cast %add3A_126 : i32 to index
        %swap3A_149 = arith.constant 16 : index
        %swap3A_150 = tpu.vector_load %arg9[%swap3A_148, %swap3A_149] {strides = array<i32>} : memref<200x128xf32, #tpu.memory_space<vmem>>, vector<1x16xf32>,
        %swap3A_151 = vector.shape_cast %swap3A_150 : vector<1x16xf32> to vector<16xf32>
        %swap3A_152 = vector.shape_cast %add3A_147 : vector<16xf32> to vector<1x16xf32>
        tpu.vector_store %arg9[%swap3A_148, %swap3A_149], %swap3A_152 {strides = array<i32>} : memref<200x128xf32, #tpu.memory_space<vmem>>, vector<1x16xf32>,
        %get3A_153 = arith.index_cast %add3A_126 : i32 to index
        %get3A_154 = arith.constant 32 : index
        %get3A_155 = tpu.vector_load %arg9[%get3A_153, %get3A_154] {strides = array<i32>} : memref<200x128xf32, #tpu.memory_space<vmem>>, vector<1x16xf32>,
        %get3A_156 = vector.shape_cast %get3A_155 : vector<1x16xf32> to vector<16xf32>
        %get3A_157 = arith.index_cast %add3A_126 : i32 to index
        %get3A_158 = arith.constant 32 : index
        %get3A_159 = tpu.vector_load %arg10[%get3A_157, %get3A_158] {strides = array<i32>} : memref<200x64xf32, #tpu.memory_space<vmem>>, vector<1x16xf32>,
        %get3A_160 = vector.shape_cast %get3A_159 : vector<1x16xf32> to vector<16xf32>
        %add3A_161 = arith.addf %get3A_156, %get3A_160 : vector<16xf32>
        %swap3A_162 = arith.index_cast %add3A_126 : i32 to index
        %swap3A_163 = arith.constant 32 : index
        %swap3A_164 = tpu.vector_load %arg9[%swap3A_162, %swap3A_163] {strides = array<i32>} : memref<200x128xf32, #tpu.memory_space<vmem>>, vector<1x16xf32>,
        %swap3A_165 = vector.shape_cast %swap3A_164 : vector<1x16xf32> to vector<16xf32>
        %swap3A_166 = vector.shape_cast %add3A_161 : vector<16xf32> to vector<1x16xf32>
        tpu.vector_store %arg9[%swap3A_162, %swap3A_163], %swap3A_166 {strides = array<i32>} : memref<200x128xf32, #tpu.memory_space<vmem>>, vector<1x16xf32>,
        %get3A_167 = arith.index_cast %add3A_126 : i32 to index
        %get3A_168 = arith.constant 48 : index
        %get3A_169 = tpu.vector_load %arg9[%get3A_167, %get3A_168] {strides = array<i32>} : memref<200x128xf32, #tpu.memory_space<vmem>>, vector<1x16xf32>,
        %get3A_170 = vector.shape_cast %get3A_169 : vector<1x16xf32> to vector<16xf32>
        %get3A_171 = arith.index_cast %add3A_126 : i32 to index
        %get3A_172 = arith.constant 48 : index
        %get3A_173 = tpu.vector_load %arg10[%get3A_171, %get3A_172] {strides = array<i32>} : memref<200x64xf32, #tpu.memory_space<vmem>>, vector<1x16xf32>,
        %get3A_174 = vector.shape_cast %get3A_173 : vector<1x16xf32> to vector<16xf32>
        %add3A_175 = arith.addf %get3A_170, %get3A_174 : vector<16xf32>
        %swap3A_176 = arith.index_cast %add3A_126 : i32 to index
        %swap3A_177 = arith.constant 48 : index
        %swap3A_178 = tpu.vector_load %arg9[%swap3A_176, %swap3A_177] {strides = array<i32>} : memref<200x128xf32, #tpu.memory_space<vmem>>, vector<1x16xf32>,
        %swap3A_179 = vector.shape_cast %swap3A_178 : vector<1x16xf32> to vector<16xf32>
        %swap3A_180 = vector.shape_cast %add3A_175 : vector<16xf32> to vector<1x16xf32>
        tpu.vector_store %arg9[%swap3A_176, %swap3A_177], %swap3A_180 {strides = array<i32>} : memref<200x128xf32, #tpu.memory_space<vmem>>, vector<1x16xf32>,
        %mul3A_181 = arith.constant 4 : i32
        %mul3A_182 = arith.muli %scan3A_121, %mul3A_181 : i32
        %add3A_183 = arith.constant 1 : i32
        %add3A_184 = arith.addi %mul3A_182, %add3A_183 : i32
        %get3A_185 = arith.index_cast %add3A_184 : i32 to index
        %get3A_186 = arith.constant 0 : index
        %get3A_187 = tpu.vector_load %arg9[%get3A_185, %get3A_186] {strides = array<i32>} : memref<200x128xf32, #tpu.memory_space<vmem>>, vector<1x16xf32>,
        %get3A_188 = vector.shape_cast %get3A_187 : vector<1x16xf32> to vector<16xf32>
        %get3A_189 = arith.index_cast %add3A_184 : i32 to index
        %get3A_190 = arith.constant 0 : index
        %get3A_191 = tpu.vector_load %arg10[%get3A_189, %get3A_190] {strides = array<i32>} : memref<200x64xf32, #tpu.memory_space<vmem>>, vector<1x16xf32>,
        %get3A_192 = vector.shape_cast %get3A_191 : vector<1x16xf32> to vector<16xf32>
        %add3A_193 = arith.addf %get3A_188, %get3A_192 : vector<16xf32>
        %swap3A_194 = arith.index_cast %add3A_184 : i32 to index
        %swap3A_195 = arith.constant 0 : index
        %swap3A_196 = tpu.vector_load %arg9[%swap3A_194, %swap3A_195] {strides = array<i32>} : memref<200x128xf32, #tpu.memory_space<vmem>>, vector<1x16xf32>,
        %swap3A_197 = vector.shape_cast %swap3A_196 : vector<1x16xf32> to vector<16xf32>
        %swap3A_198 = vector.shape_cast %add3A_193 : vector<16xf32> to vector<1x16xf32>
        tpu.vector_store %arg9[%swap3A_194, %swap3A_195], %swap3A_198 {strides = array<i32>} : memref<200x128xf32, #tpu.memory_space<vmem>>, vector<1x16xf32>,
        %get3A_199 = arith.index_cast %add3A_184 : i32 to index
        %get3A_200 = arith.constant 16 : index
        %get3A_201 = tpu.vector_load %arg9[%get3A_199, %get3A_200] {strides = array<i32>} : memref<200x128xf32, #tpu.memory_space<vmem>>, vector<1x16xf32>,
        %get3A_202 = vector.shape_cast %get3A_201 : vector<1x16xf32> to vector<16xf32>
        %get3A_203 = arith.index_cast %add3A_184 : i32 to index
        %get3A_204 = arith.constant 16 : index
        %get3A_205 = tpu.vector_load %arg10[%get3A_203, %get3A_204] {strides = array<i32>} : memref<200x64xf32, #tpu.memory_space<vmem>>, vector<1x16xf32>,
        %get3A_206 = vector.shape_cast %get3A_205 : vector<1x16xf32> to vector<16xf32>
        %add3A_207 = arith.addf %get3A_202, %get3A_206 : vector<16xf32>
        %swap3A_208 = arith.index_cast %add3A_184 : i32 to index
        %swap3A_209 = arith.constant 16 : index
        %swap3A_210 = tpu.vector_load %arg9[%swap3A_208, %swap3A_209] {strides = array<i32>} : memref<200x128xf32, #tpu.memory_space<vmem>>, vector<1x16xf32>,
        %swap3A_211 = vector.shape_cast %swap3A_210 : vector<1x16xf32> to vector<16xf32>
        %swap3A_212 = vector.shape_cast %add3A_207 : vector<16xf32> to vector<1x16xf32>
        tpu.vector_store %arg9[%swap3A_208, %swap3A_209], %swap3A_212 {strides = array<i32>} : memref<200x128xf32, #tpu.memory_space<vmem>>, vector<1x16xf32>,
        %get3A_213 = arith.index_cast %add3A_184 : i32 to index
        %get3A_214 = arith.constant 32 : index
        %get3A_215 = tpu.vector_load %arg9[%get3A_213, %get3A_214] {strides = array<i32>} : memref<200x128xf32, #tpu.memory_space<vmem>>, vector<1x16xf32>,
        %get3A_216 = vector.shape_cast %get3A_215 : vector<1x16xf32> to vector<16xf32>
        %get3A_217 = arith.index_cast %add3A_184 : i32 to index
        %get3A_218 = arith.constant 32 : index
        %get3A_219 = tpu.vector_load %arg10[%get3A_217, %get3A_218] {strides = array<i32>} : memref<200x64xf32, #tpu.memory_space<vmem>>, vector<1x16xf32>,
        %get3A_220 = vector.shape_cast %get3A_219 : vector<1x16xf32> to vector<16xf32>
        %add3A_221 = arith.addf %get3A_216, %get3A_220 : vector<16xf32>
        %swap3A_222 = arith.index_cast %add3A_184 : i32 to index
        %swap3A_223 = arith.constant 32 : index
        %swap3A_224 = tpu.vector_load %arg9[%swap3A_222, %swap3A_223] {strides = array<i32>} : memref<200x128xf32, #tpu.memory_space<vmem>>, vector<1x16xf32>,
        %swap3A_225 = vector.shape_cast %swap3A_224 : vector<1x16xf32> to vector<16xf32>
        %swap3A_226 = vector.shape_cast %add3A_221 : vector<16xf32> to vector<1x16xf32>
        tpu.vector_store %arg9[%swap3A_222, %swap3A_223], %swap3A_226 {strides = array<i32>} : memref<200x128xf32, #tpu.memory_space<vmem>>, vector<1x16xf32>,
        %get3A_227 = arith.index_cast %add3A_184 : i32 to index
        %get3A_228 = arith.constant 48 : index
        %get3A_229 = tpu.vector_load %arg9[%get3A_227, %get3A_228] {strides = array<i32>} : memref<200x128xf32, #tpu.memory_space<vmem>>, vector<1x16xf32>,
        %get3A_230 = vector.shape_cast %get3A_229 : vector<1x16xf32> to vector<16xf32>
        %get3A_231 = arith.index_cast %add3A_184 : i32 to index
        %get3A_232 = arith.constant 48 : index
        %get3A_233 = tpu.vector_load %arg10[%get3A_231, %get3A_232] {strides = array<i32>} : memref<200x64xf32, #tpu.memory_space<vmem>>, vector<1x16xf32>,
        %get3A_234 = vector.shape_cast %get3A_233 : vector<1x16xf32> to vector<16xf32>
        %add3A_235 = arith.addf %get3A_230, %get3A_234 : vector<16xf32>
        %swap3A_236 = arith.index_cast %add3A_184 : i32 to index
        %swap3A_237 = arith.constant 48 : index
        %swap3A_238 = tpu.vector_load %arg9[%swap3A_236, %swap3A_237] {strides = array<i32>} : memref<200x128xf32, #tpu.memory_space<vmem>>, vector<1x16xf32>,
        %swap3A_239 = vector.shape_cast %swap3A_238 : vector<1x16xf32> to vector<16xf32>
        %swap3A_240 = vector.shape_cast %add3A_235 : vector<16xf32> to vector<1x16xf32>
        tpu.vector_store %arg9[%swap3A_236, %swap3A_237], %swap3A_240 {strides = array<i32>} : memref<200x128xf32, #tpu.memory_space<vmem>>, vector<1x16xf32>,
        %mul3A_241 = arith.constant 4 : i32
        %mul3A_242 = arith.muli %scan3A_121, %mul3A_241 : i32
        %add3A_243 = arith.constant 2 : i32
        %add3A_244 = arith.addi %mul3A_242, %add3A_243 : i32
        %get3A_245 = arith.index_cast %add3A_244 : i32 to index
        %get3A_246 = arith.constant 0 : index
        %get3A_247 = tpu.vector_load %arg9[%get3A_245, %get3A_246] {strides = array<i32>} : memref<200x128xf32, #tpu.memory_space<vmem>>, vector<1x16xf32>,
        %get3A_248 = vector.shape_cast %get3A_247 : vector<1x16xf32> to vector<16xf32>
        %get3A_249 = arith.index_cast %add3A_244 : i32 to index
        %get3A_250 = arith.constant 0 : index
        %get3A_251 = tpu.vector_load %arg10[%get3A_249, %get3A_250] {strides = array<i32>} : memref<200x64xf32, #tpu.memory_space<vmem>>, vector<1x16xf32>,
        %get3A_252 = vector.shape_cast %get3A_251 : vector<1x16xf32> to vector<16xf32>
        %add3A_253 = arith.addf %get3A_248, %get3A_252 : vector<16xf32>
        %swap3A_254 = arith.index_cast %add3A_244 : i32 to index
        %swap3A_255 = arith.constant 0 : index
        %swap3A_256 = tpu.vector_load %arg9[%swap3A_254, %swap3A_255] {strides = array<i32>} : memref<200x128xf32, #tpu.memory_space<vmem>>, vector<1x16xf32>,
        %swap3A_257 = vector.shape_cast %swap3A_256 : vector<1x16xf32> to vector<16xf32>
        %swap3A_258 = vector.shape_cast %add3A_253 : vector<16xf32> to vector<1x16xf32>
        tpu.vector_store %arg9[%swap3A_254, %swap3A_255], %swap3A_258 {strides = array<i32>} : memref<200x128xf32, #tpu.memory_space<vmem>>, vector<1x16xf32>,
        %get3A_259 = arith.index_cast %add3A_244 : i32 to index
        %get3A_260 = arith.constant 16 : index
        %get3A_261 = tpu.vector_load %arg9[%get3A_259, %get3A_260] {strides = array<i32>} : memref<200x128xf32, #tpu.memory_space<vmem>>, vector<1x16xf32>,
        %get3A_262 = vector.shape_cast %get3A_261 : vector<1x16xf32> to vector<16xf32>
        %get3A_263 = arith.index_cast %add3A_244 : i32 to index
        %get3A_264 = arith.constant 16 : index
        %get3A_265 = tpu.vector_load %arg10[%get3A_263, %get3A_264] {strides = array<i32>} : memref<200x64xf32, #tpu.memory_space<vmem>>, vector<1x16xf32>,
        %get3A_266 = vector.shape_cast %get3A_265 : vector<1x16xf32> to vector<16xf32>
        %add3A_267 = arith.addf %get3A_262, %get3A_266 : vector<16xf32>
        %swap3A_268 = arith.index_cast %add3A_244 : i32 to index
        %swap3A_269 = arith.constant 16 : index
        %swap3A_270 = tpu.vector_load %arg9[%swap3A_268, %swap3A_269] {strides = array<i32>} : memref<200x128xf32, #tpu.memory_space<vmem>>, vector<1x16xf32>,
        %swap3A_271 = vector.shape_cast %swap3A_270 : vector<1x16xf32> to vector<16xf32>
        %swap3A_272 = vector.shape_cast %add3A_267 : vector<16xf32> to vector<1x16xf32>
        tpu.vector_store %arg9[%swap3A_268, %swap3A_269], %swap3A_272 {strides = array<i32>} : memref<200x128xf32, #tpu.memory_space<vmem>>, vector<1x16xf32>,
        %get3A_273 = arith.index_cast %add3A_244 : i32 to index
        %get3A_274 = arith.constant 32 : index
        %get3A_275 = tpu.vector_load %arg9[%get3A_273, %get3A_274] {strides = array<i32>} : memref<200x128xf32, #tpu.memory_space<vmem>>, vector<1x16xf32>,
        %get3A_276 = vector.shape_cast %get3A_275 : vector<1x16xf32> to vector<16xf32>
        %get3A_277 = arith.index_cast %add3A_244 : i32 to index
        %get3A_278 = arith.constant 32 : index
        %get3A_279 = tpu.vector_load %arg10[%get3A_277, %get3A_278] {strides = array<i32>} : memref<200x64xf32, #tpu.memory_space<vmem>>, vector<1x16xf32>,
        %get3A_280 = vector.shape_cast %get3A_279 : vector<1x16xf32> to vector<16xf32>
        %add3A_281 = arith.addf %get3A_276, %get3A_280 : vector<16xf32>
        %swap3A_282 = arith.index_cast %add3A_244 : i32 to index
        %swap3A_283 = arith.constant 32 : index
        %swap3A_284 = tpu.vector_load %arg9[%swap3A_282, %swap3A_283] {strides = array<i32>} : memref<200x128xf32, #tpu.memory_space<vmem>>, vector<1x16xf32>,
        %swap3A_285 = vector.shape_cast %swap3A_284 : vector<1x16xf32> to vector<16xf32>
        %swap3A_286 = vector.shape_cast %add3A_281 : vector<16xf32> to vector<1x16xf32>
        tpu.vector_store %arg9[%swap3A_282, %swap3A_283], %swap3A_286 {strides = array<i32>} : memref<200x128xf32, #tpu.memory_space<vmem>>, vector<1x16xf32>,
        %get3A_287 = arith.index_cast %add3A_244 : i32 to index
        %get3A_288 = arith.constant 48 : index
        %get3A_289 = tpu.vector_load %arg9[%get3A_287, %get3A_288] {strides = array<i32>} : memref<200x128xf32, #tpu.memory_space<vmem>>, vector<1x16xf32>,
        %get3A_290 = vector.shape_cast %get3A_289 : vector<1x16xf32> to vector<16xf32>
        %get3A_291 = arith.index_cast %add3A_244 : i32 to index
        %get3A_292 = arith.constant 48 : index
        %get3A_293 = tpu.vector_load %arg10[%get3A_291, %get3A_292] {strides = array<i32>} : memref<200x64xf32, #tpu.memory_space<vmem>>, vector<1x16xf32>,
        %get3A_294 = vector.shape_cast %get3A_293 : vector<1x16xf32> to vector<16xf32>
        %add3A_295 = arith.addf %get3A_290, %get3A_294 : vector<16xf32>
        %swap3A_296 = arith.index_cast %add3A_244 : i32 to index
        %swap3A_297 = arith.constant 48 : index
        %swap3A_298 = tpu.vector_load %arg9[%swap3A_296, %swap3A_297] {strides = array<i32>} : memref<200x128xf32, #tpu.memory_space<vmem>>, vector<1x16xf32>,
        %swap3A_299 = vector.shape_cast %swap3A_298 : vector<1x16xf32> to vector<16xf32>
        %swap3A_300 = vector.shape_cast %add3A_295 : vector<16xf32> to vector<1x16xf32>
        tpu.vector_store %arg9[%swap3A_296, %swap3A_297], %swap3A_300 {strides = array<i32>} : memref<200x128xf32, #tpu.memory_space<vmem>>, vector<1x16xf32>,
        %mul3A_301 = arith.constant 4 : i32
        %mul3A_302 = arith.muli %scan3A_121, %mul3A_301 : i32
        %add3A_303 = arith.constant 3 : i32
        %add3A_304 = arith.addi %mul3A_302, %add3A_303 : i32
        %get3A_305 = arith.index_cast %add3A_304 : i32 to index
        %get3A_306 = arith.constant 0 : index
        %get3A_307 = tpu.vector_load %arg9[%get3A_305, %get3A_306] {strides = array<i32>} : memref<200x128xf32, #tpu.memory_space<vmem>>, vector<1x16xf32>,
        %get3A_308 = vector.shape_cast %get3A_307 : vector<1x16xf32> to vector<16xf32>
        %get3A_309 = arith.index_cast %add3A_304 : i32 to index
        %get3A_310 = arith.constant 0 : index
        %get3A_311 = tpu.vector_load %arg10[%get3A_309, %get3A_310] {strides = array<i32>} : memref<200x64xf32, #tpu.memory_space<vmem>>, vector<1x16xf32>,
        %get3A_312 = vector.shape_cast %get3A_311 : vector<1x16xf32> to vector<16xf32>
        %add3A_313 = arith.addf %get3A_308, %get3A_312 : vector<16xf32>
        %swap3A_314 = arith.index_cast %add3A_304 : i32 to index
        %swap3A_315 = arith.constant 0 : index
        %swap3A_316 = tpu.vector_load %arg9[%swap3A_314, %swap3A_315] {strides = array<i32>} : memref<200x128xf32, #tpu.memory_space<vmem>>, vector<1x16xf32>,
        %swap3A_317 = vector.shape_cast %swap3A_316 : vector<1x16xf32> to vector<16xf32>
        %swap3A_318 = vector.shape_cast %add3A_313 : vector<16xf32> to vector<1x16xf32>
        tpu.vector_store %arg9[%swap3A_314, %swap3A_315], %swap3A_318 {strides = array<i32>} : memref<200x128xf32, #tpu.memory_space<vmem>>, vector<1x16xf32>,
        %get3A_319 = arith.index_cast %add3A_304 : i32 to index
        %get3A_320 = arith.constant 16 : index
        %get3A_321 = tpu.vector_load %arg9[%get3A_319, %get3A_320] {strides = array<i32>} : memref<200x128xf32, #tpu.memory_space<vmem>>, vector<1x16xf32>,
        %get3A_322 = vector.shape_cast %get3A_321 : vector<1x16xf32> to vector<16xf32>
        %get3A_323 = arith.index_cast %add3A_304 : i32 to index
        %get3A_324 = arith.constant 16 : index
        %get3A_325 = tpu.vector_load %arg10[%get3A_323, %get3A_324] {strides = array<i32>} : memref<200x64xf32, #tpu.memory_space<vmem>>, vector<1x16xf32>,
        %get3A_326 = vector.shape_cast %get3A_325 : vector<1x16xf32> to vector<16xf32>
        %add3A_327 = arith.addf %get3A_322, %get3A_326 : vector<16xf32>
        %swap3A_328 = arith.index_cast %add3A_304 : i32 to index
        %swap3A_329 = arith.constant 16 : index
        %swap3A_330 = tpu.vector_load %arg9[%swap3A_328, %swap3A_329] {strides = array<i32>} : memref<200x128xf32, #tpu.memory_space<vmem>>, vector<1x16xf32>,
        %swap3A_331 = vector.shape_cast %swap3A_330 : vector<1x16xf32> to vector<16xf32>
        %swap3A_332 = vector.shape_cast %add3A_327 : vector<16xf32> to vector<1x16xf32>
        tpu.vector_store %arg9[%swap3A_328, %swap3A_329], %swap3A_332 {strides = array<i32>} : memref<200x128xf32, #tpu.memory_space<vmem>>, vector<1x16xf32>,
        %get3A_333 = arith.index_cast %add3A_304 : i32 to index
        %get3A_334 = arith.constant 32 : index
        %get3A_335 = tpu.vector_load %arg9[%get3A_333, %get3A_334] {strides = array<i32>} : memref<200x128xf32, #tpu.memory_space<vmem>>, vector<1x16xf32>,
        %get3A_336 = vector.shape_cast %get3A_335 : vector<1x16xf32> to vector<16xf32>
        %get3A_337 = arith.index_cast %add3A_304 : i32 to index
        %get3A_338 = arith.constant 32 : index
        %get3A_339 = tpu.vector_load %arg10[%get3A_337, %get3A_338] {strides = array<i32>} : memref<200x64xf32, #tpu.memory_space<vmem>>, vector<1x16xf32>,
        %get3A_340 = vector.shape_cast %get3A_339 : vector<1x16xf32> to vector<16xf32>
        %add3A_341 = arith.addf %get3A_336, %get3A_340 : vector<16xf32>
        %swap3A_342 = arith.index_cast %add3A_304 : i32 to index
        %swap3A_343 = arith.constant 32 : index
        %swap3A_344 = tpu.vector_load %arg9[%swap3A_342, %swap3A_343] {strides = array<i32>} : memref<200x128xf32, #tpu.memory_space<vmem>>, vector<1x16xf32>,
        %swap3A_345 = vector.shape_cast %swap3A_344 : vector<1x16xf32> to vector<16xf32>
        %swap3A_346 = vector.shape_cast %add3A_341 : vector<16xf32> to vector<1x16xf32>
        tpu.vector_store %arg9[%swap3A_342, %swap3A_343], %swap3A_346 {strides = array<i32>} : memref<200x128xf32, #tpu.memory_space<vmem>>, vector<1x16xf32>,
        %get3A_347 = arith.index_cast %add3A_304 : i32 to index
        %get3A_348 = arith.constant 48 : index
        %get3A_349 = tpu.vector_load %arg9[%get3A_347, %get3A_348] {strides = array<i32>} : memref<200x128xf32, #tpu.memory_space<vmem>>, vector<1x16xf32>,
        %get3A_350 = vector.shape_cast %get3A_349 : vector<1x16xf32> to vector<16xf32>
        %get3A_351 = arith.index_cast %add3A_304 : i32 to index
        %get3A_352 = arith.constant 48 : index
        %get3A_353 = tpu.vector_load %arg10[%get3A_351, %get3A_352] {strides = array<i32>} : memref<200x64xf32, #tpu.memory_space<vmem>>, vector<1x16xf32>,
        %get3A_354 = vector.shape_cast %get3A_353 : vector<1x16xf32> to vector<16xf32>
        %add3A_355 = arith.addf %get3A_350, %get3A_354 : vector<16xf32>
        %swap3A_356 = arith.index_cast %add3A_304 : i32 to index
        %swap3A_357 = arith.constant 48 : index
        %swap3A_358 = tpu.vector_load %arg9[%swap3A_356, %swap3A_357] {strides = array<i32>} : memref<200x128xf32, #tpu.memory_space<vmem>>, vector<1x16xf32>,
        %swap3A_359 = vector.shape_cast %swap3A_358 : vector<1x16xf32> to vector<16xf32>
        %swap3A_360 = vector.shape_cast %add3A_355 : vector<16xf32> to vector<1x16xf32>
        tpu.vector_store %arg9[%swap3A_356, %swap3A_357], %swap3A_360 {strides = array<i32>} : memref<200x128xf32, #tpu.memory_space<vmem>>, vector<1x16xf32>,
        %scan3A_361 = arith.constant 0 : i32
        scf.yield %scan3A_361 : i32
      }
      %scan3A_97 = arith.constant 50 : i32
      %add3A_98 = arith.addi %mul3A_2, %add3A_87 : i32
      %dma_start3A_99 = arith.constant 0 : i32
      %dma_start3A_100 = arith.constant 0 : i32
      %dma_start3A_101 = tpu.memref_slice %arg9[%dma_start3A_99, %dma_start3A_100] : memref<200x128xf32, #tpu.memory_space<vmem>> -> memref<200x64xf32, #tpu.memory_space<vmem>>
      %dma_start3A_102 = arith.constant 0 : i32
      %dma_start3A_103 = arith.constant 0 : i32
      %dma_start3A_104 = tpu.memref_slice %arg5[%add3A_98, %dma_start3A_102, %dma_start3A_103] : memref<1024x200x64xf32, #tpu.memory_space<hbm>> -> memref<1x200x64xf32, #tpu.memory_space<hbm>>
      %dma_start3A_105 = tpu.memref_squeeze %dma_start3A_104 : memref<1x200x64xf32, #tpu.memory_space<hbm>> -> memref<200x64xf32, #tpu.memory_space<hbm>>
      %dma_start3A_106 = arith.constant 0 : i32
      %dma_start3A_107 = arith.constant 0 : i32
      %dma_start3A_108 = tpu.memref_slice %arg5[%add3A_98, %dma_start3A_106, %dma_start3A_107] : memref<1024x200x64xf32, #tpu.memory_space<hbm>> -> memref<1x200x64xf32, #tpu.memory_space<hbm>>
      %dma_start3A_109 = tpu.memref_squeeze %dma_start3A_108 : memref<1x200x64xf32, #tpu.memory_space<hbm>> -> memref<200x64xf32, #tpu.memory_space<hbm>>
      %dma_start3A_110 = arith.constant 0 : i32
      %dma_start3A_111 = arith.constant 0 : i32
      %dma_start3A_112 = tpu.memref_slice %arg9[%dma_start3A_110, %dma_start3A_111] : memref<200x128xf32, #tpu.memory_space<vmem>> -> memref<200x64xf32, #tpu.memory_space<vmem>>
      tpu.enqueue_dma source(%dma_start3A_112 : memref<200x64xf32, #tpu.memory_space<vmem>>) target(%dma_start3A_109 : memref<200x64xf32, #tpu.memory_space<hbm>>) target_semaphore(%arg14 : memref<!tpu.dma_semaphore, #tpu.memory_space<semaphore_mem>>)
      %add3A_113 = arith.constant 2 : i32
      %add3A_114 = arith.addi %add3A_87, %add3A_113 : i32
      %lt3A_115 = arith.constant 32 : i32
      %lt3A_116 = arith.cmpi slt, %add3A_114, %lt3A_115 : i32
      %convert_element_type3A_117 = arith.extui %lt3A_116 : i1 to i32
      %cond3A_118 = arith.constant 0 : i32
      %cond3A_119 = arith.cmpi ne, %convert_element_type3A_117, %cond3A_118 : i32
      scf.if %cond3A_119 {
        %add3A_121 = arith.addi %mul3A_2, %add3A_87 : i32
        %dma_wait3A_122 = arith.constant 0 : i32
        %dma_wait3A_123 = arith.constant 0 : i32
        %dma_wait3A_124 = tpu.memref_slice %arg9[%dma_wait3A_122, %dma_wait3A_123] : memref<200x128xf32, #tpu.memory_space<vmem>> -> memref<200x64xf32, #tpu.memory_space<vmem>>
        %dma_wait3A_125 = arith.constant 0 : i32
        %dma_wait3A_126 = arith.constant 0 : i32
        %dma_wait3A_127 = tpu.memref_slice %arg5[%add3A_121, %dma_wait3A_125, %dma_wait3A_126] : memref<1024x200x64xf32, #tpu.memory_space<hbm>> -> memref<1x200x64xf32, #tpu.memory_space<hbm>>
        %dma_wait3A_128 = tpu.memref_squeeze %dma_wait3A_127 : memref<1x200x64xf32, #tpu.memory_space<hbm>> -> memref<200x64xf32, #tpu.memory_space<hbm>>
        %dma_wait3A_129 = arith.constant 0 : i32
        %dma_wait3A_130 = arith.constant 0 : i32
        %dma_wait3A_131 = tpu.memref_slice %arg5[%add3A_121, %dma_wait3A_129, %dma_wait3A_130] : memref<1024x200x64xf32, #tpu.memory_space<hbm>> -> memref<1x200x64xf32, #tpu.memory_space<hbm>>
        %dma_wait3A_132 = tpu.memref_squeeze %dma_wait3A_131 : memref<1x200x64xf32, #tpu.memory_space<hbm>> -> memref<200x64xf32, #tpu.memory_space<hbm>>
        %dma_wait3A_133 = arith.constant 0 : i32
        %dma_wait3A_134 = arith.constant 0 : i32
        %dma_wait3A_135 = tpu.memref_slice %arg9[%dma_wait3A_133, %dma_wait3A_134] : memref<200x128xf32, #tpu.memory_space<vmem>> -> memref<200x64xf32, #tpu.memory_space<vmem>>
        tpu.wait_dma2 semaphore(%arg14 : memref<!tpu.dma_semaphore, #tpu.memory_space<semaphore_mem>>) src(%dma_wait3A_135 : memref<200x64xf32, #tpu.memory_space<vmem>>) dst(%dma_wait3A_132 : memref<200x64xf32, #tpu.memory_space<hbm>>)
        %add3A_136 = arith.constant 2 : i32
        %add3A_137 = arith.addi %add3A_87, %add3A_136 : i32
        %add3A_138 = arith.addi %mul3A_2, %add3A_137 : i32
        "tpu.region"() ({
          %run_scoped3A = tpu.sem_alloc : memref<!tpu.dma_semaphore, #tpu.memory_space<semaphore_mem>>
          %dma_start3A_142 = arith.constant 0 : i32
          %dma_start3A_143 = tpu.memref_slice %arg3[%add3A_138, %dma_start3A_142] : memref<1024x200xi32, #tpu.memory_space<hbm>> -> memref<1x200xi32, #tpu.memory_space<hbm>>
          %dma_start3A_144 = tpu.memref_squeeze %dma_start3A_143 : memref<1x200xi32, #tpu.memory_space<hbm>> -> memref<200xi32, #tpu.memory_space<hbm>>
          %dma_start3A_145 = arith.constant 0 : i32
          %dma_start3A_146 = tpu.memref_slice %arg3[%add3A_138, %dma_start3A_145] : memref<1024x200xi32, #tpu.memory_space<hbm>> -> memref<1x200xi32, #tpu.memory_space<hbm>>
          %dma_start3A_147 = tpu.memref_squeeze %dma_start3A_146 : memref<1x200xi32, #tpu.memory_space<hbm>> -> memref<200xi32, #tpu.memory_space<hbm>>
          tpu.enqueue_dma source(%dma_start3A_147 : memref<200xi32, #tpu.memory_space<hbm>>) target(%arg7 : memref<200xi32, #tpu.memory_space<vmem>>) target_semaphore(%run_scoped3A : memref<!tpu.dma_semaphore, #tpu.memory_space<semaphore_mem>>)
          %dma_wait3A_148 = arith.constant 0 : i32
          %dma_wait3A_149 = tpu.memref_slice %arg3[%add3A_138, %dma_wait3A_148] : memref<1024x200xi32, #tpu.memory_space<hbm>> -> memref<1x200xi32, #tpu.memory_space<hbm>>
          %dma_wait3A_150 = tpu.memref_squeeze %dma_wait3A_149 : memref<1x200xi32, #tpu.memory_space<hbm>> -> memref<200xi32, #tpu.memory_space<hbm>>
          %dma_wait3A_151 = arith.constant 0 : i32
          %dma_wait3A_152 = tpu.memref_slice %arg3[%add3A_138, %dma_wait3A_151] : memref<1024x200xi32, #tpu.memory_space<hbm>> -> memref<1x200xi32, #tpu.memory_space<hbm>>
          %dma_wait3A_153 = tpu.memref_squeeze %dma_wait3A_152 : memref<1x200xi32, #tpu.memory_space<hbm>> -> memref<200xi32, #tpu.memory_space<hbm>>
          tpu.wait_dma2 semaphore(%run_scoped3A : memref<!tpu.dma_semaphore, #tpu.memory_space<semaphore_mem>>) src(%dma_wait3A_153 : memref<200xi32, #tpu.memory_space<hbm>>) dst(%arg7 : memref<200xi32, #tpu.memory_space<vmem>>)
          tpu.yield
        }) : () -> ()
        %dma_start3A_139 = arith.constant 0 : i32
        %dma_start3A_140 = arith.constant 0 : i32
        %dma_start3A_141 = tpu.memref_slice %arg2[%dma_start3A_139, %dma_start3A_140] : memref<1000000x128xf32, #tpu.memory_space<hbm>> -> memref<1000000x128xf32, #tpu.memory_space<hbm>>
        tpu.enqueue_indirect_dma source(%dma_start3A_141 : memref<1000000x128xf32, #tpu.memory_space<hbm>>) target(%arg9 : memref<200x128xf32, #tpu.memory_space<vmem>>) offsets(%arg7 : memref<200xi32, #tpu.memory_space<vmem>>) semaphore(%arg12 : memref<!tpu.dma_semaphore, #tpu.memory_space<semaphore_mem>>)
      } else {
      }
      %scan3A_120 = arith.constant 0 : i32
      scf.yield %scan3A_120 : i32
    }
    %scan3A_17 = arith.constant 16 : i32
    %add3A_18 = arith.constant 30 : i32
    %add3A_19 = arith.addi %mul3A_2, %add3A_18 : i32
    %dma_wait3A = arith.constant 0 : i32
    %dma_wait3A_20 = arith.constant 0 : i32
    %dma_wait3A_21 = tpu.memref_slice %arg8[%dma_wait3A, %dma_wait3A_20] : memref<200x128xf32, #tpu.memory_space<vmem>> -> memref<200x64xf32, #tpu.memory_space<vmem>>
    %dma_wait3A_22 = arith.constant 0 : i32
    %dma_wait3A_23 = arith.constant 0 : i32
    %dma_wait3A_24 = tpu.memref_slice %arg5[%add3A_19, %dma_wait3A_22, %dma_wait3A_23] : memref<1024x200x64xf32, #tpu.memory_space<hbm>> -> memref<1x200x64xf32, #tpu.memory_space<hbm>>
    %dma_wait3A_25 = tpu.memref_squeeze %dma_wait3A_24 : memref<1x200x64xf32, #tpu.memory_space<hbm>> -> memref<200x64xf32, #tpu.memory_space<hbm>>
    %dma_wait3A_26 = arith.constant 0 : i32
    %dma_wait3A_27 = arith.constant 0 : i32
    %dma_wait3A_28 = tpu.memref_slice %arg5[%add3A_19, %dma_wait3A_26, %dma_wait3A_27] : memref<1024x200x64xf32, #tpu.memory_space<hbm>> -> memref<1x200x64xf32, #tpu.memory_space<hbm>>
    %dma_wait3A_29 = tpu.memref_squeeze %dma_wait3A_28 : memref<1x200x64xf32, #tpu.memory_space<hbm>> -> memref<200x64xf32, #tpu.memory_space<hbm>>
    %dma_wait3A_30 = arith.constant 0 : i32
    %dma_wait3A_31 = arith.constant 0 : i32
    %dma_wait3A_32 = tpu.memref_slice %arg8[%dma_wait3A_30, %dma_wait3A_31] : memref<200x128xf32, #tpu.memory_space<vmem>> -> memref<200x64xf32, #tpu.memory_space<vmem>>
    tpu.wait_dma2 semaphore(%arg13 : memref<!tpu.dma_semaphore, #tpu.memory_space<semaphore_mem>>) src(%dma_wait3A_32 : memref<200x64xf32, #tpu.memory_space<vmem>>) dst(%dma_wait3A_29 : memref<200x64xf32, #tpu.memory_space<hbm>>)
    %add3A_33 = arith.constant 31 : i32
    %add3A_34 = arith.addi %mul3A_2, %add3A_33 : i32
    %dma_wait3A_35 = arith.constant 0 : i32
    %dma_wait3A_36 = arith.constant 0 : i32
    %dma_wait3A_37 = tpu.memref_slice %arg9[%dma_wait3A_35, %dma_wait3A_36] : memref<200x128xf32, #tpu.memory_space<vmem>> -> memref<200x64xf32, #tpu.memory_space<vmem>>
    %dma_wait3A_38 = arith.constant 0 : i32
    %dma_wait3A_39 = arith.constant 0 : i32
    %dma_wait3A_40 = tpu.memref_slice %arg5[%add3A_34, %dma_wait3A_38, %dma_wait3A_39] : memref<1024x200x64xf32, #tpu.memory_space<hbm>> -> memref<1x200x64xf32, #tpu.memory_space<hbm>>
    %dma_wait3A_41 = tpu.memref_squeeze %dma_wait3A_40 : memref<1x200x64xf32, #tpu.memory_space<hbm>> -> memref<200x64xf32, #tpu.memory_space<hbm>>
    %dma_wait3A_42 = arith.constant 0 : i32
    %dma_wait3A_43 = arith.constant 0 : i32
    %dma_wait3A_44 = tpu.memref_slice %arg5[%add3A_34, %dma_wait3A_42, %dma_wait3A_43] : memref<1024x200x64xf32, #tpu.memory_space<hbm>> -> memref<1x200x64xf32, #tpu.memory_space<hbm>>
    %dma_wait3A_45 = tpu.memref_squeeze %dma_wait3A_44 : memref<1x200x64xf32, #tpu.memory_space<hbm>> -> memref<200x64xf32, #tpu.memory_space<hbm>>
    %dma_wait3A_46 = arith.constant 0 : i32
    %dma_wait3A_47 = arith.constant 0 : i32
    %dma_wait3A_48 = tpu.memref_slice %arg9[%dma_wait3A_46, %dma_wait3A_47] : memref<200x128xf32, #tpu.memory_space<vmem>> -> memref<200x64xf32, #tpu.memory_space<vmem>>
    tpu.wait_dma2 semaphore(%arg14 : memref<!tpu.dma_semaphore, #tpu.memory_space<semaphore_mem>>) src(%dma_wait3A_48 : memref<200x64xf32, #tpu.memory_space<vmem>>) dst(%dma_wait3A_45 : memref<200x64xf32, #tpu.memory_space<hbm>>)
    return
  }
}

</mosaic_0001>

<sc_bundles>
// kernel: kernel.3.cloned.1.call-start
scs
__scs_entry_jumppad:
0x0: {  	(pc) =	sbr.rel $0x88, $3  }
0x1: {  	(tag) =	ssettag $0x0;
	lr =	simm.s32 $0x1  }
0x2: {  	[smem:$0x3F9F] =	sst lr;
	_ =	strace $0xD0000000  }
0x3: {  	_ = 	snop  }
0x4: {  	_ = 	snop  }
0x5: {  	_ = 	snop  }
0x6: {  	_ = 	snop  }
0x7: {  	_ = 	snop  }
__scs_overlays_trampoline_lowered:
0x8: {  	[smem:$0x3FAE] =	sst s0  }
0x9: {  	[smem:$0x3FAF] =	sst s1  }
0xa: {  	[smem:$0x3FB0] =	sst s2  }
0xb: {  	[smem:$0x3FB1] =	sst s3  }
0xc: {  	[smem:$0x3FB2] =	sst s4  }
0xd: {  	[smem:$0x3FB3] =	sst s5  }
0xe: {  	[smem:$0x3FB4] =	sst s6  }
0xf: {  	[smem:$0x3FB5] =	sst s7  }
0x10: {  	[smem:$0x3FB6] =	sst s8  }
0x11: {  	[smem:$0x3FB7] =	sst s9;
	s0 =	simm.s32 @!p0 $0x0  }
0x12: {  	s1 =	sld [smem:$0x3F9D];
	s0 =	simm.s32 @p0 $0x1  }
0x13: {  	[smem:$0x3FB8] =	sst s0;
	s0 =	simm.s32 @!p1 $0x0  }
0x14: {  	s2 =	sld [smem:$0x3F9C];
	s0 =	simm.s32 @p1 $0x1  }
0x15: {  	[smem:$0x3FB9] =	sst s0;
	s0 =	simm.s32 @!p2 $0x0  }
0x16: {  	s3 =	sld [smem:$0x3FDB];
	s0 =	simm.s32 @p2 $0x1  }
0x17: {  	s4 =	simm.s32 $0x1BF5;
	[smem:$0x3FBB] =	sst s0  }
0x18: {  	s0 =	sld [smem:$0x3F9E];
	_ =	swait.ge [sflag:s4], $0x0  }
0x19: {  	s7 =	sld [smem:$0x3F9F]  }
0x1a: {  	s8 =	sadd.s32 $0xFFFFE003, lr  }
0x1b: {  	s9 =	sadd.s32 $0xFFFFFEF7, lr;
	s5 =	simm.s32 $0xFFFFFFFF;
	p2 =	slt.u32 s8, $0xFFFFF086  }
0x1c: {  	p1 =	slt.u32 s9, $0xF7A;
	s5 =	simm.s32 @!p2 $0x0  }
0x1d: {  	s5 =	simm.s32 @p1 $0x1;
	p0 =	seq.s32 s7, s2  }
0x1e: {  	s7 =	smul.u32 @!p0 $0xF7A, s2;
	p2 =	seq.s32 @!p0 s5, $0x0  }
0x1f: {  	s9 =	smul.u32 $0xF7A, s1;
	s8 =	simm.s32 @!p0 $0x1BF5;
	p2 =	por !p2, p0  }
0x20: {  	[sflag:s8] =	ssyncset.s32 @!p0 $0xFFFFF086;
	s6 =	sadd.s32 @!p0 s3, s7;
	s7 =	simm.s32 @!p0 $0x108  }
0x21: {  	s3 =	sadd.s32 s3, s9;
	s6 =	sadd.s32 @!p0 $0x88, s6;
	s7 =	simm.s32 @p2 $0x1082  }
0x22: {  	[simem:s7], [sflag:s8] =	dma.local @!p0 [hbm:s6], $0xF7A  }
0x23: {  	s9 =	sor.u32 $0xD0000000, s2;
	s6 =	simm.s32 $0x108;
	_ =	swait.ge @!p0 [sflag:s8], $0x0  }
0x24: {  	s3 =	sadd.s32 $0x88, s3;
	s6 =	simm.s32 @!p1 $0x1082;
	[sflag:s4] =	ssyncset.s32 $0xFFFFF086  }
0x25: {  	[simem:s6], [sflag:s4] =	dma.local [hbm:s3], $0xF7A  }
0x26: {  	[smem:$0x3F9F] =	sst s1;
	(tag) =	ssettag s2;
	_ =	strace s9  }
0x27: {  	s1 =	sld [smem:$0x3FAF]  }
0x28: {  	s2 =	sld [smem:$0x3FB0]  }
0x29: {  	s4 =	sld [smem:$0x3FB2]  }
0x2a: {  	p0 =	seq.s32 s5, $0x0;
	s5 =	sld [smem:$0x3FB3]  }
0x2b: {  	s6 =	sld [smem:$0x3FB4]  }
0x2c: {  	s7 =	sld [smem:$0x3FB5]  }
0x2d: {  	s3 =	simm.s32 $0x108;
	s8 =	sld [smem:$0x3FB6]  }
0x2e: {  	s3 =	simm.s32 @!p0 $0x1082;
	s9 =	sld [smem:$0x3FB7]  }
0x2f: {  	lr =	sadd.s32 s0, s3;
	s0 =	sld [smem:$0x3FAE]  }
0x30: {  	s3 =	sld [smem:$0x3FB1]  }
0x31: {  	[smem:$0x3FBA] =	sst s10  }
0x32: {  	s10 =	sld [smem:$0x3FB8];
	_ =	sdelay $0x3  }
0x33: {  	p0 =	seq.s32 s10, $0x1;
	s10 =	sld [smem:$0x3FBA];
	_ =	sdelay $0x3  }
0x34: {  	[smem:$0x3FBA] =	sst s10  }
0x35: {  	s10 =	sld [smem:$0x3FB9];
	_ =	sdelay $0x3  }
0x36: {  	p1 =	seq.s32 s10, $0x1;
	s10 =	sld [smem:$0x3FBA];
	_ =	sdelay $0x3  }
0x37: {  	[smem:$0x3FBA] =	sst s10  }
0x38: {  	s10 =	sld [smem:$0x3FBB]  }
0x39: {  	_ = 	snop;
	(pc) =	sbr.ind lr, $3  }
0x3a: {  	_ = 	snop  }
0x3b: {  	_ = 	snop  }
0x3c: {  	p2 =	seq.s32 s10, $0x1;
	s10 =	sld [smem:$0x3FBA]  }
0x3d: {  	_ =	shalt  }
0x3e: {  	_ =	shalt  }
0x3f: {  	_ =	shalt  }
0x40: {  	_ =	shalt  }
0x41: {  	_ =	shalt  }
0x42: {  	_ =	shalt  }
0x43: {  	_ =	shalt  }
0x44: {  	_ =	shalt  }
0x45: {  	_ =	shalt  }
0x46: {  	_ =	shalt  }
0x47: {  	_ =	shalt  }
0x48: {  	_ =	shalt  }
0x49: {  	_ =	shalt  }
0x4a: {  	_ =	shalt  }
0x4b: {  	_ =	shalt  }
0x4c: {  	_ =	shalt  }
0x4d: {  	_ =	shalt  }
0x4e: {  	_ =	shalt  }
0x4f: {  	_ =	shalt  }
0x50: {  	_ =	shalt  }
0x51: {  	_ =	shalt  }
0x52: {  	_ =	shalt  }
0x53: {  	_ =	shalt  }
0x54: {  	_ =	shalt  }
0x55: {  	_ =	shalt  }
0x56: {  	_ =	shalt  }
0x57: {  	_ =	shalt  }
0x58: {  	_ =	shalt  }
0x59: {  	_ =	shalt  }
0x5a: {  	_ =	shalt  }
0x5b: {  	_ =	shalt  }
0x5c: {  	_ =	shalt  }
0x5d: {  	_ =	shalt  }
0x5e: {  	_ =	shalt  }
0x5f: {  	_ =	shalt  }
0x60: {  	_ =	shalt  }
0x61: {  	_ =	shalt  }
0x62: {  	_ =	shalt  }
0x63: {  	_ =	shalt  }
0x64: {  	_ =	shalt  }
0x65: {  	_ =	shalt  }
0x66: {  	_ =	shalt  }
0x67: {  	_ =	shalt  }
0x68: {  	_ =	shalt  }
0x69: {  	_ =	shalt  }
0x6a: {  	_ =	shalt  }
0x6b: {  	_ =	shalt  }
0x6c: {  	_ =	shalt  }
0x6d: {  	_ =	shalt  }
0x6e: {  	_ =	shalt  }
0x6f: {  	_ =	shalt  }
0x70: {  	_ =	shalt  }
0x71: {  	_ =	shalt  }
0x72: {  	_ =	shalt  }
0x73: {  	_ =	shalt  }
0x74: {  	_ =	shalt  }
0x75: {  	_ =	shalt  }
0x76: {  	_ =	shalt  }
0x77: {  	_ =	shalt  }
0x78: {  	_ =	shalt  }
0x79: {  	_ =	shalt  }
0x7a: {  	_ =	shalt  }
0x7b: {  	_ =	shalt  }
0x7c: {  	_ =	shalt  }
0x7d: {  	_ =	shalt  }
0x7e: {  	_ =	shalt  }
0x7f: {  	_ =	shalt  }
0x80: {  	_ =	shalt  }
0x81: {  	_ =	shalt  }
0x82: {  	_ =	shalt  }
0x83: {  	_ =	shalt  }
0x84: {  	_ =	shalt  }
0x85: {  	_ =	shalt  }
0x86: {  	_ =	shalt  }
0x87: {  	_ =	shalt  }
.Lfunc_end0:
.L_simem_size_0:
called_computation.1_lowered:
.L_overlay_start_0:
0x88: {  	s2 =	sld [smem:$0x3FD9]  }
0x89: {  	s3 =	sld [smem:$0x3FFE];
	_ =	sdelay $0x1  }
0x8a: {  	s1 =	srdreg.scid  }
0x8b: {  	s0 =	sand.u32 $0x1, s1  }
0x8c: {  	s17 =	sshll.u32 s0, $0xA;
	s2 =	sadd.s32 s3, s2  }
0x8d: {  	s2 =	sadd.s32 s2, s17  }
0x8e: {  	[smem:$0x3FC6] =	sst s2  }
0x8f: {  	_ = 	snop  }
0x90: {  	s2 =	sld [smem:$0x3FD0];
	(tm) =	ssettm $0x1  }
0x91: {  	s18 =	sld [smem:$0x3FFB];
	_ =	sdelay $0x3  }
0x92: {  	_ =	strace s18  }
0x93: {  	s3 =	sld [smem:$0x3FFC];
	_ =	sdelay $0x3  }
0x94: {  	_ =	strace s3  }
0x95: {  	s3 =	sld [smem:$0x3FFD];
	_ =	sdelay $0x3  }
0x96: {  	_ =	strace s3  }
0x97: {  	_ =	strace $0x8FFFFFFF  }
0x98: {  	s19 =	sld [smem:$0x3FDB];
	_ =	sdelay $0x1  }
0x99: {  	s4 =	simm.s32 $_scs_section_size  }
0x9a: {  	s5 =	simm.s32 $_size__tile_overlayer_lowered;
	s6 =	simm.s32 $_tile_overlayer_lowered  }
0x9b: {  	s22 =	simm.s32 $0x1BFF;
	s21 =	sshll.u32 s6, $0x1;
	s3 =	sadd.s32 s4, s19  }
0x9c: {  	s7 =	simm.s32 $0x0;
	s20 =	sshll.u32 s5, $0x1;
	s5 =	sadd.s32 s21, s3  }
0x9d: {  	[timem:s7], [sflag:s22] =	dma.local [hbm:s5], s20  }
0x9e: {  	_ =	swait.ge [sflag:s22], s20  }
0x9f: {  	s4 =	ssub.s32 $0x0, s20;
	[sflag:s22] =	ssyncset.done $0x0  }
0xa0: {  	[sflag:s22] =	ssyncadd.s32 s4;
	_ =	sdelay $0x1  }
0xa1: {  	s23 =	simm.s32 $0x1B8B  }
0xa2: {  	_ =	swait.ge [sflag:s23], $0x1  }
0xa3: {  	[sflag:s23] =	ssyncset.done $0x0  }
0xa4: {  	s25 =	simm.s32 $0x1B8E;
	s24 =	sld [smem:$0x3FFE];
	[sflag:s23] =	ssyncadd.s32 $0xFFFFFFFF  }
0xa5: {  	s26 =	simm.s32 $execute0_lowered;
	[smem:$0x3FD2] =	sst s25  }
0xa6: {  	s5 =	sshll.u32 s26, $0x1;
	_ =	strace $0x80000046;
	[dreg:$0x1] =	wrdreg $0xFFFFFFFF  }
0xa7: {  	s28 =	simm.s32 $_size_execute0_lowered;
	s3 =	sadd.s32 s3, s5;
	[dreg:$0x0] =	wrdreg $0x0  }
0xa8: {  	s5 =	sshll.u32 s28, $0x1;
	[dreg:$0x2] =	wrdreg s3  }
0xa9: {  	[dreg:$0x3] =	wrdreg s5  }
0xaa: {  	[dreg:$0x4] =	wrdreg $0xC0  }
0xab: {  	_ =	task [dreg:s7], $0x5FFFF  }
0xac: {  	[dreg:$0x1] =	wrdreg $0xFFFFFFFF  }
0xad: {  	[dreg:$0x0] =	wrdreg $0x60  }
0xae: {  	[dreg:$0x2] =	wrdreg s24  }
0xaf: {  	[dreg:$0x3] =	wrdreg s2  }
0xb0: {  	[dreg:$0x4] =	wrdreg $0x9  }
0xb1: {  	_ =	task.clear_ibuf [dreg:s7], $0x5FFFF;
	_ =	strace $0x90000046  }
0xb2: {  	s29 =	simm.s32 $0x9;
	_ =	strace $0x80000048  }
0xb3: {  	_ =	swait.ge [sflag:s29], $0x1  }
0xb4: {  	[sflag:s29] =	ssyncadd.s32 $0xFFFFFFFF  }
0xb5: {  	_ =	strace $0x90000048  }
0xb6: {  	_ =	sfence  }
0xb7: {  	s30 =	sld [smem:$0x0];
	_ =	sdelay $0x2  }
0xb8: {  	s31 =	sshll.u32 s1, $0xD;
	s1 =	sshrl.u32 s1, $0x2  }
0xb9: {  	s3 =	sand.u32 $0x4000, s31;
	s1 =	sadd.s32 s1, s30  }
0xba: {  	s0 =	sor.u32 s3, s0;
	s1 =	sshll.u32 s1, $0x11  }
0xbb: {  	s0 =	sor.u32 s1, s0  }
0xbc: {  	s0 =	sadd.s32 $0x8F2B, s0  }
0xbd: {  	[sflag:s0] =	ssyncadd.remote.s32 $0x1  }
0xbe: {  	_ =	sfence.sel $0xFFFF  }
0xbf: {  	[dreg:$0x0] =	wrdreg $0xFFFFFFFF;
	(pc) =	sbr.abs _section_cstart, $3  }
0xc0: {  	[dreg:$0x1] =	wrdreg $0xFFFFFFFF  }
0xc1: {  	_ =	task.clear_ibuf [dreg:s7], $0x2FFFF;
	_ =	strace $0x9FFFFFFF  }
0xc2: {  	(tm) =	ssettm $0x7FFFFFFF  }
0xc3: {  	_ =	shalt  }
tec
execute0_lowered:
.L_overlay_start_1:
0x0: {  	(tag) =	ssettag $0x1  }
0x1: {  	s7 =	rddreg [dreg:$0x0]  }
0x2: {  	s2 =	rddreg [dreg:$0x1];
	s3 =	srdreg.scid  }
0x3: {  	s0 =	rddreg [dreg:$0x2];
	s1 =	stileid.u32  }
0x4: {  	s13 =	simm.s32 $0xC990;
	s14 =	simm.s32 $0x5;
	s15 =	simm.s32 $0xC8  }
0x5: {  	s16 =	simm.s32 $0x190;
	s17 =	simm.s32 $0x6590;
	s18 =	simm.s32 $0x1  }
0x6: {  	s19 =	simm.s32 $0x2;
	s20 =	simm.s32 $0x3;
	s21 =	simm.s32 $0x4  }
0x7: {  	s22 =	simm.s32 $0x0;
	s8 =	sand.u32 $0x1, s3;
	s3 =	simm.s32 $0x0  }
0x8: {  	s4 =	sshll.u32 s1, $0x6;
	s6 =	sadd.s32 $0xF43000, s7;
	s5 =	sshll.u32 s8, $0x5  }
.Ltmp0:
0x9: {  	[smem:$0x7FF] =	sst s3;
	s4 =	sor.u32 s5, s4;
	(pc) =	sbr.rel .LBB2_1-.Ltmp0, $4  }
0xa: {  	s10 =	ssub.s32 $0x2, s8;
	_ =	strace $0x80000047;
	s9 =	smul.u32 $0x19, s4  }
0xb: {  	s5 =	sadd.s32 $0xF49C00, s7;
	s7 =	sadd.s32 $0xF49400, s7;
	s11 =	sshrl.u32 s10, $0x1  }
0xc: {  	s12 =	ssub.s32 s10, s11;
	s10 =	sor.u32 $0x2, s4;
	s8 =	sadd.s32 s6, s9  }
0xd: {  	s11 =	sor.u32 $0x3, s4;
	s12 =	smax.u32 s12, $0x1;
	s9 =	sadd.s32 $0x19, s8  }
.LBB2_12:
0xe: {  	s22 =	sadd.s32 $0x1, s22  }
0xf: {  	_ =	swait.ge [sflag:s20], $0x3200;
	p0 =	sne.s32 s22, s12  }
.Ltmp1:
0x10: {  	[sflag:s20] =	ssyncset.done $0x0;
	(pc) =	sbr.rel @!p0 .LBB2_13-.Ltmp1, $4  }
0x11: {  	[sflag:s20] =	ssyncadd.s32 $0xFFFFCE00  }
0x12: {  	_ =	swait.ge [sflag:s21], $0x3200  }
0x13: {  	[sflag:s21] =	ssyncset.done $0x0  }
0x14: {  	[sflag:s21] =	ssyncadd.s32 $0xFFFFCE00  }
.LBB2_1:
0x15: {  	[tilespmem:s13], [sflag:$0x5] =	stream.linear.gather [hbm4b:s7+s3], $0x3200, $0x38;
	[tilespmem:$0xFB90] =	vst v63  }
0x16: {  	_ =	swait.ge [sflag:s14], $0x3200  }
0x17: {  	[sflag:s14] =	ssyncset.done $0x0  }
0x18: {  	[sflag:s14] =	ssyncadd.s32 $0xFFFFCE00  }
0x19: {  	[tilespmem:s3], [sflag:$0x5] =	stream.linear.gather [hbm4b:s8+s3], $0xC8, $0x38;
	[tilespmem:$0xFB90] =	vst v63  }
0x1a: {  	_ =	swait.ge [sflag:s14], $0xC8  }
0x1b: {  	[sflag:s14] =	ssyncset.done $0x0  }
0x1c: {  	[sflag:s14] =	ssyncadd.s32 $0xFFFFFF38  }
0x1d: {  	[tilespmem:s16], [sflag:$0x1] =	stream.indirect.gather [hbm4b:s5+s15], $0x80, s3, s15, $0xb8;
	[tilespmem:$0xFB90] =	vst v63  }
0x1e: {  	_ = 	snop  }
0x1f: {  	[tilespmem:s15], [sflag:$0x5] =	stream.linear.gather [hbm4b:s9+s3], $0xC8, $0x38;
	[tilespmem:$0xFB90] =	vst v63  }
0x20: {  	_ =	swait.ge [sflag:s14], $0xC8  }
0x21: {  	[sflag:s14] =	ssyncset.done $0x0  }
0x22: {  	s23 =	simm.s32 $0x0;
	[sflag:s14] =	ssyncadd.s32 $0xFFFFFF38  }
0x23: {  	[tilespmem:s17], [sflag:$0x2] =	stream.indirect.gather [hbm4b:s5+s15], $0x80, s15, s15, $0xb8;
	[tilespmem:$0xFB90] =	vst v63  }
.LBB2_2:
0x24: {  	_ =	swait.ge [sflag:s18], $0x6400  }
0x25: {  	[sflag:s18] =	ssyncset.done $0x0  }
0x26: {  	s24 =	simm.s32 $0x290;
	[sflag:s18] =	ssyncadd.s32 $0xFFFF9C00  }
0x27: {  	s26 =	simm.s32 $0xF0;
	s28 =	simm.s32 $0x7C0;
	s25 =	simm.s32 $0x290;
	v0 =	vld [tilespmem:s24+$0xFFFFFF00]  }
.LBB2_3:
0x28: {  	p0 =	sne.s32 s28, $0xC7C0;
	v1 =	vld [tilespmem:s26+$0xC8A0];
	_ =	sdelay $0x4  }
0x29: {  	v0 =	vadd.f32 v1, v0;
	_ =	sdelay $0x1  }
0x2a: {  	[tilespmem:s24+$0xFFFFFF00] =	vst v0;
	v0 =	vld [tilespmem:s24+$0xFFFFFF10]  }
0x2b: {  	v1 =	vld [tilespmem:s26+$0xC8B0];
	_ =	sdelay $0x4  }
0x2c: {  	v0 =	vadd.f32 v1, v0;
	_ =	sdelay $0x1  }
0x2d: {  	[tilespmem:s24+$0xFFFFFF10] =	vst v0;
	v0 =	vld [tilespmem:s24+$0xFFFFFF20]  }
0x2e: {  	v1 =	vld [tilespmem:s26+$0xC8C0];
	_ =	sdelay $0x4  }
0x2f: {  	v0 =	vadd.f32 v1, v0;
	_ =	sdelay $0x1  }
0x30: {  	[tilespmem:s24+$0xFFFFFF20] =	vst v0;
	v0 =	vld [tilespmem:s24+$0xFFFFFF30]  }
0x31: {  	v1 =	vld [tilespmem:s26+$0xC8D0];
	_ =	sdelay $0x4  }
0x32: {  	v0 =	vadd.f32 v1, v0;
	_ =	sdelay $0x1  }
0x33: {  	[tilespmem:s24+$0xFFFFFF30] =	vst v0;
	v0 =	vld [tilespmem:s24+$0xFFFFFF80]  }
0x34: {  	v1 =	vld [tilespmem:s26+$0xC8E0];
	_ =	sdelay $0x4  }
0x35: {  	v0 =	vadd.f32 v1, v0;
	_ =	sdelay $0x1  }
0x36: {  	[tilespmem:s24+$0xFFFFFF80] =	vst v0;
	v0 =	vld [tilespmem:s24+$0xFFFFFF90]  }
0x37: {  	v1 =	vld [tilespmem:s26+$0xC8F0];
	_ =	sdelay $0x4  }
0x38: {  	v0 =	vadd.f32 v1, v0;
	_ =	sdelay $0x1  }
0x39: {  	[tilespmem:s24+$0xFFFFFF90] =	vst v0;
	v0 =	vld [tilespmem:s24+$0xFFFFFFA0]  }
0x3a: {  	v1 =	vld [tilespmem:s26+$0xC900];
	_ =	sdelay $0x4  }
0x3b: {  	v0 =	vadd.f32 v1, v0;
	_ =	sdelay $0x1  }
0x3c: {  	[tilespmem:s24+$0xFFFFFFA0] =	vst v0;
	v0 =	vld [tilespmem:s24+$0xFFFFFFB0]  }
0x3d: {  	v1 =	vld [tilespmem:s26+$0xC910];
	_ =	sdelay $0x4  }
0x3e: {  	v0 =	vadd.f32 v1, v0;
	_ =	sdelay $0x1  }
0x3f: {  	[tilespmem:s24+$0xFFFFFFB0] =	vst v0;
	v0 =	vld [tilespmem:s24+$0x0]  }
0x40: {  	v1 =	vld [tilespmem:s26+$0xC920];
	_ =	sdelay $0x4  }
0x41: {  	v0 =	vadd.f32 v1, v0;
	_ =	sdelay $0x1  }
0x42: {  	[tilespmem:s24+$0x0] =	vst v0;
	v0 =	vld [tilespmem:s24+$0x10]  }
0x43: {  	v1 =	vld [tilespmem:s26+$0xC930];
	_ =	sdelay $0x4  }
0x44: {  	v0 =	vadd.f32 v1, v0;
	_ =	sdelay $0x1  }
0x45: {  	[tilespmem:s24+$0x10] =	vst v0;
	v0 =	vld [tilespmem:s24+$0x20]  }
0x46: {  	v1 =	vld [tilespmem:s26+$0xC940];
	_ =	sdelay $0x4  }
0x47: {  	v0 =	vadd.f32 v1, v0;
	_ =	sdelay $0x1  }
0x48: {  	[tilespmem:s24+$0x20] =	vst v0;
	v0 =	vld [tilespmem:s24+$0x30]  }
0x49: {  	v1 =	vld [tilespmem:s26+$0xC950];
	_ =	sdelay $0x4  }
0x4a: {  	v0 =	vadd.f32 v1, v0;
	_ =	sdelay $0x1  }
0x4b: {  	[tilespmem:s24+$0x30] =	vst v0;
	v0 =	vld [tilespmem:s24+$0x80]  }
0x4c: {  	v1 =	vld [tilespmem:s26+$0xC960];
	_ =	sdelay $0x4  }
0x4d: {  	v0 =	vadd.f32 v1, v0;
	_ =	sdelay $0x1  }
0x4e: {  	[tilespmem:s24+$0x80] =	vst v0;
	v0 =	vld [tilespmem:s24+$0x90]  }
0x4f: {  	v1 =	vld [tilespmem:s26+$0xC970];
	_ =	sdelay $0x4  }
0x50: {  	v0 =	vadd.f32 v1, v0;
	_ =	sdelay $0x1  }
0x51: {  	[tilespmem:s24+$0x90] =	vst v0;
	v0 =	vld [tilespmem:s24+$0xA0]  }
0x52: {  	v1 =	vld [tilespmem:s26+$0xC980];
	_ =	sdelay $0x4  }
0x53: {  	v0 =	vadd.f32 v1, v0;
	_ =	sdelay $0x1  }
0x54: {  	[tilespmem:s24+$0xA0] =	vst v0;
	v0 =	vld [tilespmem:s24+$0xB0]  }
0x55: {  	v1 =	vld [tilespmem:s26+$0xC990];
	_ =	sdelay $0x2  }
.Ltmp2:
0x56: {  	(pc) =	sbr.rel @p0 .LBB2_3-.Ltmp2, $4  }
0x57: {  	_ = 	snop  }
0x58: {  	v1 =	vadd.f32 v1, v0  }
0x59: {  	s24 =	sadd.s32 $0x200, s24  }
0x5a: {  	s26 =	sshra.s32 s28, $0x2;
	s28 =	sadd.s32 $0x400, s28;
	v0 =	vld [tilespmem:s24+$0xFFFFFF00];
	[tilespmem:s25+$0xB0] =	vst v1;
	s25 =	smov.u32 s24  }
0x5b: {  	v1 =	vld [tilespmem:s26+$0xC8A0];
	_ =	sdelay $0x4  }
0x5c: {  	v0 =	vadd.f32 v1, v0;
	_ =	sdelay $0x1  }
0x5d: {  	v34 =	vld [tilespmem:s24+$0xFFFFFF10];
	[tilespmem:s24+$0xFFFFFF00] =	vst v0  }
0x5e: {  	v35 =	vld [tilespmem:s26+$0xC8B0];
	_ =	sdelay $0x4  }
0x5f: {  	v0 =	vadd.f32 v35, v34;
	_ =	sdelay $0x1  }
0x60: {  	v36 =	vld [tilespmem:s24+$0xFFFFFF20];
	[tilespmem:s24+$0xFFFFFF10] =	vst v0  }
0x61: {  	v37 =	vld [tilespmem:s26+$0xC8C0];
	_ =	sdelay $0x4  }
0x62: {  	v0 =	vadd.f32 v37, v36;
	_ =	sdelay $0x1  }
0x63: {  	v38 =	vld [tilespmem:s24+$0xFFFFFF30];
	[tilespmem:s24+$0xFFFFFF20] =	vst v0  }
0x64: {  	v39 =	vld [tilespmem:s26+$0xC8D0];
	_ =	sdelay $0x4  }
0x65: {  	v0 =	vadd.f32 v39, v38;
	_ =	sdelay $0x1  }
0x66: {  	v40 =	vld [tilespmem:s24+$0xFFFFFF80];
	[tilespmem:s24+$0xFFFFFF30] =	vst v0  }
0x67: {  	v41 =	vld [tilespmem:s26+$0xC8E0];
	_ =	sdelay $0x4  }
0x68: {  	v0 =	vadd.f32 v41, v40;
	_ =	sdelay $0x1  }
0x69: {  	v42 =	vld [tilespmem:s24+$0xFFFFFF90];
	[tilespmem:s24+$0xFFFFFF80] =	vst v0  }
0x6a: {  	v43 =	vld [tilespmem:s26+$0xC8F0];
	_ =	sdelay $0x4  }
0x6b: {  	v0 =	vadd.f32 v43, v42;
	_ =	sdelay $0x1  }
0x6c: {  	v44 =	vld [tilespmem:s24+$0xFFFFFFA0];
	[tilespmem:s24+$0xFFFFFF90] =	vst v0  }
0x6d: {  	v45 =	vld [tilespmem:s26+$0xC900];
	_ =	sdelay $0x4  }
0x6e: {  	v0 =	vadd.f32 v45, v44;
	_ =	sdelay $0x1  }
0x6f: {  	v46 =	vld [tilespmem:s24+$0xFFFFFFB0];
	[tilespmem:s24+$0xFFFFFFA0] =	vst v0  }
0x70: {  	v47 =	vld [tilespmem:s26+$0xC910];
	_ =	sdelay $0x4  }
0x71: {  	v0 =	vadd.f32 v47, v46;
	_ =	sdelay $0x1  }
0x72: {  	v48 =	vld [tilespmem:s24+$0x0];
	[tilespmem:s24+$0xFFFFFFB0] =	vst v0  }
0x73: {  	v49 =	vld [tilespmem:s26+$0xC920];
	_ =	sdelay $0x4  }
0x74: {  	v0 =	vadd.f32 v49, v48;
	_ =	sdelay $0x1  }
0x75: {  	v50 =	vld [tilespmem:s24+$0x10];
	[tilespmem:s24+$0x0] =	vst v0  }
0x76: {  	v51 =	vld [tilespmem:s26+$0xC930];
	_ =	sdelay $0x4  }
0x77: {  	v0 =	vadd.f32 v51, v50;
	_ =	sdelay $0x1  }
0x78: {  	v52 =	vld [tilespmem:s24+$0x20];
	[tilespmem:s24+$0x10] =	vst v0  }
0x79: {  	v53 =	vld [tilespmem:s26+$0xC940];
	_ =	sdelay $0x4  }
0x7a: {  	v0 =	vadd.f32 v53, v52;
	_ =	sdelay $0x1  }
0x7b: {  	v54 =	vld [tilespmem:s24+$0x30];
	[tilespmem:s24+$0x20] =	vst v0  }
0x7c: {  	v55 =	vld [tilespmem:s26+$0xC950];
	_ =	sdelay $0x4  }
0x7d: {  	v0 =	vadd.f32 v55, v54;
	_ =	sdelay $0x1  }
0x7e: {  	v56 =	vld [tilespmem:s24+$0x80];
	[tilespmem:s24+$0x30] =	vst v0  }
0x7f: {  	v57 =	vld [tilespmem:s26+$0xC960];
	_ =	sdelay $0x4  }
0x80: {  	v0 =	vadd.f32 v57, v56;
	_ =	sdelay $0x1  }
0x81: {  	v58 =	vld [tilespmem:s24+$0x90];
	[tilespmem:s24+$0x80] =	vst v0  }
0x82: {  	v59 =	vld [tilespmem:s26+$0xC970];
	_ =	sdelay $0x4  }
0x83: {  	v0 =	vadd.f32 v59, v58;
	_ =	sdelay $0x1  }
0x84: {  	v60 =	vld [tilespmem:s24+$0xA0];
	[tilespmem:s24+$0x90] =	vst v0  }
0x85: {  	v61 =	vld [tilespmem:s26+$0xC980];
	_ =	sdelay $0x4  }
0x86: {  	v0 =	vadd.f32 v61, v60;
	_ =	sdelay $0x1  }
0x87: {  	v62 =	vld [tilespmem:s24+$0xB0];
	[tilespmem:s24+$0xA0] =	vst v0  }
0x88: {  	v63 =	vld [tilespmem:s26+$0xC990];
	_ =	sdelay $0x1  }
0x89: {  	s24 =	sshll.u32 s23, $0x1  }
0x8a: {  	s31 =	sadd.s32 s4, s24  }
0x8b: {  	s26 =	smul.u32 $0x640, s31  }
0x8c: {  	v0 =	vadd.f32 v63, v62  }
0x8d: {  	s28 =	simm.s32 $0x190;
	s26 =	sadd.s32 s2, s26  }
0x8e: {  	s29 =	simm.s32 $0x210;
	s30 =	sadd.s32 $0x0, s26;
	[tilespmem:s25+$0xB0] =	vst v0;
	s25 =	simm.s32 $0x8  }
.LBB2_5:
0x8f: {  	[hbm4b:s30+s3] =	stream.linear.scatter [tilespmem:s28], [sflag:$0x3], $0x40, $0x38;
	[tilespmem:$0xFB90] =	vst v63  }
0x90: {  	s30 =	smov.u32 s25;
	s28 =	smov.u32 s29;
	p0 =	sne.s32 s25, $0x638  }
.Ltmp3:
0x91: {  	s25 =	sadd.s32 $0x8, s25;
	(pc) =	sbr.rel @p0 .LBB2_5-.Ltmp3, $2  }
0x92: {  	_ =	sdelay $0x2  }
0x93: {  	s29 =	sadd.s32 $0x80, s29;
	s30 =	sadd.s32 s30, s26  }
0x94: {  	[hbm4b:s30+s3] =	stream.linear.scatter [tilespmem:s28], [sflag:$0x3], $0x40, $0x38;
	[tilespmem:$0xFB90] =	vst v63  }
0x95: {  	p0 =	seq.s32 s23, $0xF  }
0x96: {  	s25 =	simm.s32 @!p0 $0x3;
	s26 =	sadd.s32 @!p0 s24, s10  }
0x97: {  	_ =	swait.ge @!p0 [sflag:s25], $0x3200;
	s26 =	smul.u32 @!p0 $0x19, s26  }
0x98: {  	[sflag:s25] =	ssyncset.done @!p0 $0x0  }
0x99: {  	[sflag:s25] =	ssyncadd.s32 @!p0 $0xFFFFCE00;
	s25 =	sadd.s32 @!p0 s6, s26;
	s26 =	simm.s32 @!p0 $0x0  }
0x9a: {  	[tilespmem:s26], [sflag:$0x5] =	stream.linear.gather @!p0 [hbm4b:s25+s26], $0xC8, $0x38;
	[tilespmem:$0xFB90] =	vst v63  }
0x9b: {  	s25 =	simm.s32 @!p0 $0x5  }
0x9c: {  	_ =	swait.ge @!p0 [sflag:s25], $0xC8  }
0x9d: {  	[sflag:s25] =	ssyncset.done @!p0 $0x0  }
0x9e: {  	s28 =	simm.s32 @!p0 $0x190;
	[sflag:s25] =	ssyncadd.s32 @!p0 $0xFFFFFF38;
	s25 =	simm.s32 @!p0 $0xC8  }
0x9f: {  	[tilespmem:s28], [sflag:$0x1] =	stream.indirect.gather @!p0 [hbm4b:s5+s25], $0x80, s26, s25, $0xb8;
	[tilespmem:$0xFB90] =	vst v63  }
0xa0: {  	_ =	swait.ge [sflag:s19], $0x6400  }
0xa1: {  	[sflag:s19] =	ssyncset.done $0x0  }
0xa2: {  	s26 =	simm.s32 $0x6690;
	[sflag:s19] =	ssyncadd.s32 $0xFFFF9C00  }
0xa3: {  	s29 =	simm.s32 $0x7C0;
	s28 =	simm.s32 $0xF0;
	s25 =	simm.s32 $0x6690;
	v0 =	vld [tilespmem:s26+$0xFFFFFF00]  }
.LBB2_7:
0xa4: {  	p1 =	sne.s32 s29, $0xC7C0;
	v1 =	vld [tilespmem:s28+$0xC8A0];
	_ =	sdelay $0x4  }
0xa5: {  	v0 =	vadd.f32 v1, v0;
	_ =	sdelay $0x1  }
0xa6: {  	[tilespmem:s26+$0xFFFFFF00] =	vst v0;
	v0 =	vld [tilespmem:s26+$0xFFFFFF10]  }
0xa7: {  	v1 =	vld [tilespmem:s28+$0xC8B0];
	_ =	sdelay $0x4  }
0xa8: {  	v0 =	vadd.f32 v1, v0;
	_ =	sdelay $0x1  }
0xa9: {  	[tilespmem:s26+$0xFFFFFF10] =	vst v0;
	v0 =	vld [tilespmem:s26+$0xFFFFFF20]  }
0xaa: {  	v1 =	vld [tilespmem:s28+$0xC8C0];
	_ =	sdelay $0x4  }
0xab: {  	v0 =	vadd.f32 v1, v0;
	_ =	sdelay $0x1  }
0xac: {  	[tilespmem:s26+$0xFFFFFF20] =	vst v0;
	v0 =	vld [tilespmem:s26+$0xFFFFFF30]  }
0xad: {  	v1 =	vld [tilespmem:s28+$0xC8D0];
	_ =	sdelay $0x4  }
0xae: {  	v0 =	vadd.f32 v1, v0;
	_ =	sdelay $0x1  }
0xaf: {  	[tilespmem:s26+$0xFFFFFF30] =	vst v0;
	v0 =	vld [tilespmem:s26+$0xFFFFFF80]  }
0xb0: {  	v1 =	vld [tilespmem:s28+$0xC8E0];
	_ =	sdelay $0x4  }
0xb1: {  	v0 =	vadd.f32 v1, v0;
	_ =	sdelay $0x1  }
0xb2: {  	[tilespmem:s26+$0xFFFFFF80] =	vst v0;
	v0 =	vld [tilespmem:s26+$0xFFFFFF90]  }
0xb3: {  	v1 =	vld [tilespmem:s28+$0xC8F0];
	_ =	sdelay $0x4  }
0xb4: {  	v0 =	vadd.f32 v1, v0;
	_ =	sdelay $0x1  }
0xb5: {  	[tilespmem:s26+$0xFFFFFF90] =	vst v0;
	v0 =	vld [tilespmem:s26+$0xFFFFFFA0]  }
0xb6: {  	v1 =	vld [tilespmem:s28+$0xC900];
	_ =	sdelay $0x4  }
0xb7: {  	v0 =	vadd.f32 v1, v0;
	_ =	sdelay $0x1  }
0xb8: {  	[tilespmem:s26+$0xFFFFFFA0] =	vst v0;
	v0 =	vld [tilespmem:s26+$0xFFFFFFB0]  }
0xb9: {  	v1 =	vld [tilespmem:s28+$0xC910];
	_ =	sdelay $0x4  }
0xba: {  	v0 =	vadd.f32 v1, v0;
	_ =	sdelay $0x1  }
0xbb: {  	[tilespmem:s26+$0xFFFFFFB0] =	vst v0;
	v0 =	vld [tilespmem:s26+$0x0]  }
0xbc: {  	v1 =	vld [tilespmem:s28+$0xC920];
	_ =	sdelay $0x4  }
0xbd: {  	v0 =	vadd.f32 v1, v0;
	_ =	sdelay $0x1  }
0xbe: {  	[tilespmem:s26+$0x0] =	vst v0;
	v0 =	vld [tilespmem:s26+$0x10]  }
0xbf: {  	v1 =	vld [tilespmem:s28+$0xC930];
	_ =	sdelay $0x4  }
0xc0: {  	v0 =	vadd.f32 v1, v0;
	_ =	sdelay $0x1  }
0xc1: {  	[tilespmem:s26+$0x10] =	vst v0;
	v0 =	vld [tilespmem:s26+$0x20]  }
0xc2: {  	v1 =	vld [tilespmem:s28+$0xC940];
	_ =	sdelay $0x4  }
0xc3: {  	v0 =	vadd.f32 v1, v0;
	_ =	sdelay $0x1  }
0xc4: {  	[tilespmem:s26+$0x20] =	vst v0;
	v0 =	vld [tilespmem:s26+$0x30]  }
0xc5: {  	v1 =	vld [tilespmem:s28+$0xC950];
	_ =	sdelay $0x4  }
0xc6: {  	v0 =	vadd.f32 v1, v0;
	_ =	sdelay $0x1  }
0xc7: {  	[tilespmem:s26+$0x30] =	vst v0;
	v0 =	vld [tilespmem:s26+$0x80]  }
0xc8: {  	v1 =	vld [tilespmem:s28+$0xC960];
	_ =	sdelay $0x4  }
0xc9: {  	v0 =	vadd.f32 v1, v0;
	_ =	sdelay $0x1  }
0xca: {  	[tilespmem:s26+$0x80] =	vst v0;
	v0 =	vld [tilespmem:s26+$0x90]  }
0xcb: {  	v1 =	vld [tilespmem:s28+$0xC970];
	_ =	sdelay $0x4  }
0xcc: {  	v0 =	vadd.f32 v1, v0;
	_ =	sdelay $0x1  }
0xcd: {  	[tilespmem:s26+$0x90] =	vst v0;
	v0 =	vld [tilespmem:s26+$0xA0]  }
0xce: {  	v1 =	vld [tilespmem:s28+$0xC980];
	_ =	sdelay $0x4  }
0xcf: {  	v0 =	vadd.f32 v1, v0;
	_ =	sdelay $0x1  }
0xd0: {  	[tilespmem:s26+$0xA0] =	vst v0;
	v0 =	vld [tilespmem:s26+$0xB0]  }
0xd1: {  	v1 =	vld [tilespmem:s28+$0xC990];
	_ =	sdelay $0x2  }
.Ltmp4:
0xd2: {  	(pc) =	sbr.rel @p1 .LBB2_7-.Ltmp4, $4  }
0xd3: {  	_ = 	snop  }
0xd4: {  	v1 =	vadd.f32 v1, v0  }
0xd5: {  	s26 =	sadd.s32 $0x200, s26  }
0xd6: {  	s28 =	sshra.s32 s29, $0x2;
	s29 =	sadd.s32 $0x400, s29;
	v0 =	vld [tilespmem:s26+$0xFFFFFF00];
	[tilespmem:s25+$0xB0] =	vst v1;
	s25 =	smov.u32 s26  }
0xd7: {  	v1 =	vld [tilespmem:s28+$0xC8A0];
	_ =	sdelay $0x4  }
0xd8: {  	v0 =	vadd.f32 v1, v0;
	_ =	sdelay $0x1  }
0xd9: {  	v34 =	vld [tilespmem:s26+$0xFFFFFF10];
	[tilespmem:s26+$0xFFFFFF00] =	vst v0  }
0xda: {  	v35 =	vld [tilespmem:s28+$0xC8B0];
	_ =	sdelay $0x4  }
0xdb: {  	v0 =	vadd.f32 v35, v34;
	_ =	sdelay $0x1  }
0xdc: {  	v36 =	vld [tilespmem:s26+$0xFFFFFF20];
	[tilespmem:s26+$0xFFFFFF10] =	vst v0  }
0xdd: {  	v37 =	vld [tilespmem:s28+$0xC8C0];
	_ =	sdelay $0x4  }
0xde: {  	v0 =	vadd.f32 v37, v36;
	_ =	sdelay $0x1  }
0xdf: {  	v38 =	vld [tilespmem:s26+$0xFFFFFF30];
	[tilespmem:s26+$0xFFFFFF20] =	vst v0  }
0xe0: {  	v39 =	vld [tilespmem:s28+$0xC8D0];
	_ =	sdelay $0x4  }
0xe1: {  	v0 =	vadd.f32 v39, v38;
	_ =	sdelay $0x1  }
0xe2: {  	v40 =	vld [tilespmem:s26+$0xFFFFFF80];
	[tilespmem:s26+$0xFFFFFF30] =	vst v0  }
0xe3: {  	v41 =	vld [tilespmem:s28+$0xC8E0];
	_ =	sdelay $0x4  }
0xe4: {  	v0 =	vadd.f32 v41, v40;
	_ =	sdelay $0x1  }
0xe5: {  	v42 =	vld [tilespmem:s26+$0xFFFFFF90];
	[tilespmem:s26+$0xFFFFFF80] =	vst v0  }
0xe6: {  	v43 =	vld [tilespmem:s28+$0xC8F0];
	_ =	sdelay $0x4  }
0xe7: {  	v0 =	vadd.f32 v43, v42;
	_ =	sdelay $0x1  }
0xe8: {  	v44 =	vld [tilespmem:s26+$0xFFFFFFA0];
	[tilespmem:s26+$0xFFFFFF90] =	vst v0  }
0xe9: {  	v45 =	vld [tilespmem:s28+$0xC900];
	_ =	sdelay $0x4  }
0xea: {  	v0 =	vadd.f32 v45, v44;
	_ =	sdelay $0x1  }
0xeb: {  	v46 =	vld [tilespmem:s26+$0xFFFFFFB0];
	[tilespmem:s26+$0xFFFFFFA0] =	vst v0  }
0xec: {  	v47 =	vld [tilespmem:s28+$0xC910];
	_ =	sdelay $0x4  }
0xed: {  	v0 =	vadd.f32 v47, v46;
	_ =	sdelay $0x1  }
0xee: {  	v48 =	vld [tilespmem:s26+$0x0];
	[tilespmem:s26+$0xFFFFFFB0] =	vst v0  }
0xef: {  	v49 =	vld [tilespmem:s28+$0xC920];
	_ =	sdelay $0x4  }
0xf0: {  	v0 =	vadd.f32 v49, v48;
	_ =	sdelay $0x1  }
0xf1: {  	v50 =	vld [tilespmem:s26+$0x10];
	[tilespmem:s26+$0x0] =	vst v0  }
0xf2: {  	v51 =	vld [tilespmem:s28+$0xC930];
	_ =	sdelay $0x4  }
0xf3: {  	v0 =	vadd.f32 v51, v50;
	_ =	sdelay $0x1  }
0xf4: {  	v52 =	vld [tilespmem:s26+$0x20];
	[tilespmem:s26+$0x10] =	vst v0  }
0xf5: {  	v53 =	vld [tilespmem:s28+$0xC940];
	_ =	sdelay $0x4  }
0xf6: {  	v0 =	vadd.f32 v53, v52;
	_ =	sdelay $0x1  }
0xf7: {  	v54 =	vld [tilespmem:s26+$0x30];
	[tilespmem:s26+$0x20] =	vst v0  }
0xf8: {  	v55 =	vld [tilespmem:s28+$0xC950];
	_ =	sdelay $0x4  }
0xf9: {  	v0 =	vadd.f32 v55, v54;
	_ =	sdelay $0x1  }
0xfa: {  	v56 =	vld [tilespmem:s26+$0x80];
	[tilespmem:s26+$0x30] =	vst v0  }
0xfb: {  	v57 =	vld [tilespmem:s28+$0xC960];
	_ =	sdelay $0x4  }
0xfc: {  	v0 =	vadd.f32 v57, v56;
	_ =	sdelay $0x1  }
0xfd: {  	v58 =	vld [tilespmem:s26+$0x90];
	[tilespmem:s26+$0x80] =	vst v0  }
0xfe: {  	v59 =	vld [tilespmem:s28+$0xC970];
	_ =	sdelay $0x4  }
0xff: {  	v0 =	vadd.f32 v59, v58;
	_ =	sdelay $0x1  }
0x100: {  	v60 =	vld [tilespmem:s26+$0xA0];
	[tilespmem:s26+$0x90] =	vst v0  }
0x101: {  	v61 =	vld [tilespmem:s28+$0xC980];
	_ =	sdelay $0x4  }
0x102: {  	v0 =	vadd.f32 v61, v60;
	_ =	sdelay $0x1  }
0x103: {  	v62 =	vld [tilespmem:s26+$0xB0];
	[tilespmem:s26+$0xA0] =	vst v0  }
0x104: {  	v63 =	vld [tilespmem:s28+$0xC990];
	_ =	sdelay $0x1  }
0x105: {  	s31 =	sadd.s32 s24, s4  }
0x106: {  	s26 =	smul.u32 $0x640, s31;
	_ =	sdelay $0x1  }
0x107: {  	s26 =	sadd.s32 s2, s26;
	v0 =	vadd.f32 v63, v62  }
0x108: {  	s29 =	simm.s32 $0x6610;
	s26 =	sadd.s32 $0x640, s26  }
0x109: {  	s28 =	simm.s32 $0x6590;
	s30 =	sadd.s32 $0x0, s26;
	[tilespmem:s25+$0xB0] =	vst v0;
	s25 =	simm.s32 $0x8  }
.LBB2_9:
0x10a: {  	[hbm4b:s30+s3] =	stream.linear.scatter [tilespmem:s28], [sflag:$0x4], $0x40, $0x38;
	[tilespmem:$0xFB90] =	vst v63  }
0x10b: {  	s30 =	smov.u32 s25;
	s28 =	smov.u32 s29;
	p1 =	sne.s32 s25, $0x638  }
.Ltmp5:
0x10c: {  	s25 =	sadd.s32 $0x8, s25;
	(pc) =	sbr.rel @p1 .LBB2_9-.Ltmp5, $2  }
0x10d: {  	_ =	sdelay $0x2  }
0x10e: {  	s29 =	sadd.s32 $0x80, s29;
	s30 =	sadd.s32 s30, s26  }
.Ltmp6:
0x10f: {  	(pc) =	sbr.rel @p0 .LBB2_12-.Ltmp6, $2  }
0x110: {  	_ =	sdelay $0x2  }
0x111: {  	[hbm4b:s30+s3] =	stream.linear.scatter [tilespmem:s28], [sflag:$0x4], $0x40, $0x38;
	[tilespmem:$0xFB90] =	vst v63  }
0x112: {  	s24 =	sadd.s32 s24, s11  }
0x113: {  	_ =	swait.ge [sflag:s21], $0x3200;
	s24 =	smul.u32 $0x19, s24  }
0x114: {  	[sflag:s21] =	ssyncset.done $0x0  }
0x115: {  	[sflag:s21] =	ssyncadd.s32 $0xFFFFCE00;
	s24 =	sadd.s32 s6, s24  }
0x116: {  	[tilespmem:s15], [sflag:$0x5] =	stream.linear.gather [hbm4b:s24+s3], $0xC8, $0x38;
	[tilespmem:$0xFB90] =	vst v63  }
.Ltmp7:
0x117: {  	_ = 	snop;
	(pc) =	sbr.rel .LBB2_2-.Ltmp7, $4  }
0x118: {  	_ =	swait.ge [sflag:s14], $0xC8  }
0x119: {  	[sflag:s14] =	ssyncset.done $0x0  }
0x11a: {  	s23 =	sadd.s32 $0x1, s23;
	[sflag:s14] =	ssyncadd.s32 $0xFFFFFF38  }
0x11b: {  	[tilespmem:s17], [sflag:$0x2] =	stream.indirect.gather [hbm4b:s5+s15], $0x80, s15, s15, $0xb8;
	[tilespmem:$0xFB90] =	vst v63  }
.LBB2_13:
0x11c: {  	_ =	sfence.sel $0x180000  }
0x11d: {  	[bflag:$0x0] =	sbarrier.arrive $0xFFFF  }
0x11e: {  	p0 =	sne.s32 s1, $0x0;
	_ =	strace $0x90000047  }
0x11f: {  	s0 =	sadd.s32 @!p0 $0x100000, s0;
	[bflag:$0x2] =	sbarrier.arrive $0xFFFF  }
0x120: {  	[sflag:s0] =	ssyncadd.tile.s32 @!p0 $0x1;
	_ =	shalt  }
.Lfunc_end2:
_tile_overlayer_lowered:
.L_overlay_start_2:
0x121: {  	(tag) =	ssettag $0x2  }
0x122: {  	s0 =	rddreg [dreg:$0x0];
	s2 =	stileid.u32  }
0x123: {  	s1 =	rddreg [dreg:$0x1];
	p0 =	sne.s32 s2, $0x0  }
0x124: {  	s3 =	rddreg [dreg:$0x2];
	[bflag:$0x3] =	sbarrier.arrive $0xFFFF;
	s2 =	simm.s32 @!p0 $0x1C05  }
0x125: {  	[timem:s3], [sflag:s2] =	dma.local @!p0 [hbm:s0], s1  }
0x126: {  	s0 =	simm.s32 @!p0 $0x5  }
0x127: {  	_ =	swait.ge @!p0 [sflag:s0], s1  }
0x128: {  	s1 =	ssub.s32 @!p0 $0x0, s1;
	[sflag:s0] =	ssyncset.done @!p0 $0x0  }
0x129: {  	[sflag:s0] =	ssyncadd.s32 @!p0 s1  }
0x12a: {  	[bflag:$0x3] =	sbarrier.arrive $0xFFFF  }
0x12b: {  	_ =	shalt  }

// kernel: sparse-core-data-format-call.cloned.1.call-start
scs
called_computation_lowered:
.L_overlay_start_0:
0x0: {  	s2 =	sld [smem:$0x3FD9]  }
0x1: {  	s3 =	sld [smem:$0x3FFE];
	_ =	sdelay $0x1  }
0x2: {  	s1 =	srdreg.scid  }
0x3: {  	s0 =	sand.u32 $0x1, s1  }
0x4: {  	s18 =	sshll.u32 s0, $0xA;
	s2 =	sadd.s32 s3, s2  }
0x5: {  	s2 =	sadd.s32 s2, s18  }
0x6: {  	[smem:$0x3FC6] =	sst s2  }
0x7: {  	_ = 	snop  }
0x8: {  	s2 =	sld [smem:$0x3FD0];
	(tm) =	ssettm $0x1  }
0x9: {  	s19 =	sld [smem:$0x3FFB];
	_ =	sdelay $0x3  }
0xa: {  	_ =	strace s19  }
0xb: {  	s3 =	sld [smem:$0x3FFC];
	_ =	sdelay $0x3  }
0xc: {  	_ =	strace s3  }
0xd: {  	s3 =	sld [smem:$0x3FFD];
	_ =	sdelay $0x3  }
0xe: {  	_ =	strace s3  }
0xf: {  	_ =	strace $0x8FFFFFFF  }
0x10: {  	s20 =	sld [smem:$0x3FDB];
	_ =	sdelay $0x1  }
0x11: {  	s4 =	simm.s32 $_scs_section_size  }
0x12: {  	s5 =	simm.s32 $_size__tile_overlayer_lowered;
	s6 =	simm.s32 $_tile_overlayer_lowered  }
0x13: {  	s23 =	simm.s32 $0x1BFF;
	s22 =	sshll.u32 s6, $0x1;
	s3 =	sadd.s32 s4, s20  }
0x14: {  	s7 =	simm.s32 $0x0;
	s21 =	sshll.u32 s5, $0x1;
	s5 =	sadd.s32 s22, s3  }
0x15: {  	[timem:s7], [sflag:s23] =	dma.local [hbm:s5], s21  }
0x16: {  	_ =	swait.ge [sflag:s23], s21  }
0x17: {  	s4 =	ssub.s32 $0x0, s21;
	[sflag:s23] =	ssyncset.done $0x0  }
0x18: {  	[sflag:s23] =	ssyncadd.s32 s4;
	_ =	sdelay $0x1  }
0x19: {  	s24 =	simm.s32 $0x1B8B  }
0x1a: {  	_ =	swait.ge [sflag:s24], $0x1  }
0x1b: {  	[sflag:s24] =	ssyncset.done $0x0  }
0x1c: {  	s26 =	simm.s32 $0x1B8E;
	s25 =	sld [smem:$0x3FFE];
	[sflag:s24] =	ssyncadd.s32 $0xFFFFFFFF  }
0x1d: {  	s27 =	simm.s32 $execute0_lowered;
	[smem:$0x3FD2] =	sst s26  }
0x1e: {  	s5 =	sshll.u32 s27, $0x1;
	_ =	strace $0x80000049;
	[dreg:$0x1] =	wrdreg $0xFFFFFFFF  }
0x1f: {  	s28 =	simm.s32 $_size_execute0_lowered;
	s3 =	sadd.s32 s3, s5;
	[dreg:$0x0] =	wrdreg $0x0  }
0x20: {  	s5 =	sshll.u32 s28, $0x1;
	[dreg:$0x2] =	wrdreg s3  }
0x21: {  	[dreg:$0x3] =	wrdreg s5  }
0x22: {  	[dreg:$0x4] =	wrdreg $0xC0  }
0x23: {  	_ =	task [dreg:s7], $0x5FFFF  }
0x24: {  	[dreg:$0x1] =	wrdreg $0xFFFFFFFF  }
0x25: {  	[dreg:$0x0] =	wrdreg $0x60  }
0x26: {  	[dreg:$0x2] =	wrdreg s25  }
0x27: {  	[dreg:$0x3] =	wrdreg s2  }
0x28: {  	[dreg:$0x4] =	wrdreg $0x9  }
0x29: {  	_ =	task.clear_ibuf [dreg:s7], $0x5FFFF;
	_ =	strace $0x90000049  }
0x2a: {  	s29 =	simm.s32 $0x9;
	_ =	strace $0x8000004B  }
0x2b: {  	_ =	swait.ge [sflag:s29], $0x1  }
0x2c: {  	[sflag:s29] =	ssyncadd.s32 $0xFFFFFFFF  }
0x2d: {  	_ =	strace $0x9000004B  }
0x2e: {  	_ =	sfence  }
0x2f: {  	s30 =	sld [smem:$0x0];
	_ =	sdelay $0x2  }
0x30: {  	s31 =	sshll.u32 s1, $0xD;
	s1 =	sshrl.u32 s1, $0x2  }
0x31: {  	s3 =	sand.u32 $0x4000, s31;
	s1 =	sadd.s32 s1, s30  }
0x32: {  	s0 =	sor.u32 s3, s0;
	s1 =	sshll.u32 s1, $0x11  }
0x33: {  	s0 =	sor.u32 s1, s0  }
0x34: {  	s0 =	sadd.s32 $0x8F2B, s0  }
0x35: {  	[sflag:s0] =	ssyncadd.remote.s32 $0x1  }
0x36: {  	_ =	sfence.sel $0xFFFF  }
0x37: {  	[dreg:$0x0] =	wrdreg $0xFFFFFFFF;
	(pc) =	sbr.abs _section_cstart, $3  }
0x38: {  	[dreg:$0x1] =	wrdreg $0xFFFFFFFF  }
0x39: {  	_ =	task.clear_ibuf [dreg:s7], $0x2FFFF;
	_ =	strace $0x9FFFFFFF  }
0x3a: {  	(tm) =	ssettm $0x7FFFFFFF  }
0x3b: {  	_ =	shalt  }
tec
execute0_lowered:
.L_overlay_start_1:
0x0: {  	(tag) =	ssettag $0x1  }
0x1: {  	s0 =	stileid.u32;
	s6 =	rddreg [dreg:$0x0]  }
0x2: {  	s2 =	rddreg [dreg:$0x1];
	s5 =	srdreg.scid  }
0x3: {  	s31 =	simm.s32 $0x2;
	s13 =	simm.s32 $0x0;
	s1 =	sshll.u32 s0, $0x7  }
0x4: {  	s14 =	simm.s32 $0x0;
	s12 =	simm.s32 $0x0;
	s3 =	sand.u32 $0x380, s1  }
0x5: {  	s5 =	sshll.u32 s5, $0x4;
	s6 =	sadd.s32 $0xC00, s6;
	s4 =	ssub.s32 $0x400, s3  }
0x6: {  	s1 =	rddreg [dreg:$0x2];
	_ =	strace $0x8000004A;
	s7 =	sand.u32 $0x380, s4  }
0x7: {  	s5 =	sand.u32 $0x10, s5;
	p0 =	sne.s32 s7, $0x0;
	s7 =	simm.s32 $0x1  }
.Ltmp0:
0x8: {  	s8 =	sshrl.u32 s4, $0xA;
	s7 =	simm.s32 @!p0 $0x0;
	(pc) =	sbr.rel .LBB1_1-.Ltmp0, $4  }
0x9: {  	s9 =	sor.u32 s0, s5;
	s4 =	simm.s32 $0x1;
	s30 =	sadd.s32 s7, s8  }
0xa: {  	s11 =	smov.u32 s3;
	[sflag:s4] =	ssyncpa.u1 $0x0;
	s5 =	smul.u32 $0x32, s30  }
0xb: {  	[sflag:s31] =	ssyncpa.u1 $0x0;
	p0 =	por $0x0, $0x0;
	s7 =	sshrl.u32 s9, $0x3  }
0xc: {  	s9 =	simm.s32 $0x2000;
	s10 =	smov.u32 s7;
	s8 =	sor.u32 $0x1, s5  }
.LBB1_4:
0xd: {  	s17 =	sand.u32 $0x1F80, s14;
	s13 =	sshll.u32 s13, $0xD  }
0xe: {  	[tilespmem:s16+$0x810 ss:$0x81] =	vst.msk $0xffff, v2;
	s18 =	sshrl.u32 s14, $0x3;
	s31 =	sand.u32 $0x7, s14;
	s17 =	sadd.s32 s2, s17  }
0xf: {  	[tilespmem:s16+$0x1020 ss:$0x81] =	vst.msk $0xffff, v0;
	s18 =	sand.u32 $0xF, s18;
	s14 =	sshll.u32 s31, $0x12;
	s13 =	sadd.s32 s13, s17  }
0x10: {  	[tilespmem:s16+$0x0 ss:$0x81] =	vst.msk $0xffff, v1;
	s14 =	sor.u32 $0x400, s14;
	s13 =	sadd.s32 s18, s13  }
0x11: {  	[hbm4b:s13+s14] =	stream.strided.scatter [tilespmem:s15], [sflag:$0x2], $0x2000, s9, s14, $0x20;
	[tilespmem:$0x8080] =	vst v63  }
.LBB1_5:
0x12: {  	s15 =	sadd.s32 $0x4, s10  }
0x13: {  	s13 =	sadd.s32 $0x400, s11;
	s17 =	smov.u32 s11;
	p2 =	sgt.s32 s15, $0xC7  }
0x14: {  	s17 =	smov.u32 @p2 s13  }
0x15: {  	s15 =	smov.u32 @p2 s7;
	p2 =	sgt.s32 s17, $0x3FF  }
0x16: {  	s17 =	smov.u32 @p2 s3;
	p2 =	sne.s32 s12, s8  }
.Ltmp1:
0x17: {  	p1 =	slt.u32 s12, $0x2;
	(pc) =	sbr.rel @!p2 .LBB1_6-.Ltmp1, $4  }
0x18: {  	s16 =	simm.s32 @!p1 $0x2  }
0x19: {  	s14 =	smov.u32 s11;
	p0 =	por !p0, !p0;
	_ =	swait.ge @!p1 [sflag:s16], $0x2000  }
0x1a: {  	s13 =	smov.u32 s10;
	[sflag:s16] =	ssyncset.done @!p1 $0x0;
	s10 =	smov.u32 s15  }
0x1b: {  	s12 =	sadd.s32 $0x1, s12;
	[sflag:s16] =	ssyncadd.s32 @!p1 $0xFFFFE000;
	s11 =	smov.u32 s17  }
.LBB1_1:
0x1c: {  	p1 =	sge.u32 s12, s5  }
0x1d: {  	s15 =	sand.u32 @!p1 $0x1FFFFFF, s10  }
0x1e: {  	s16 =	smulhi.u32 @!p1 $0x147AE15, s15;
	_ =	sdelay $0x1  }
0x1f: {  	s16 =	smul.u32 @!p1 $0xC8, s16  }
0x20: {  	s17 =	sxor.u32 @!p1 $0xFFFFFFFF, s12;
	s18 =	smul.u32 @!p1 $0xC80, s11  }
0x21: {  	s31 =	sadd.s32 $0xFFFFFFFF, s12;
	s17 =	sshll.u32 @!p1 s17, $0xD;
	s15 =	ssub.s32 @!p1 s15, s16  }
0x22: {  	s16 =	sand.u32 @!p1 $0x2000, s17;
	s17 =	sadd.s32 @!p1 s6, s18;
	s15 =	sshll.u32 @!p1 s15, $0x4  }
0x23: {  	s18 =	simm.s32 @!p1 $0x6400;
	s15 =	sadd.s32 @!p1 s15, s17;
	s17 =	simm.s32 @!p1 $0x40  }
0x24: {  	[tilespmem:s16], [sflag:$0x1] =	stream.strided.gather @!p1 [hbm4b:s15+s17], $0x2000, s18, s17, $0x38;
	[tilespmem:$0x8080] =	vst v63  }
0x25: {  	p1 =	sge.u32 s31, s5  }
.Ltmp2:
0x26: {  	_ = 	snop;
	(pc) =	sbr.rel @p1 .LBB1_5-.Ltmp2, $1  }
0x27: {  	_ =	sdelay $0x3  }
0x28: {  	s15 =	simm.s32 $0x1  }
0x29: {  	_ =	swait.ge [sflag:s4], $0x2000;
	s15 =	simm.s32 @!p0 $0x0  }
0x2a: {  	[sflag:s4] =	ssyncset.done $0x0;
	s16 =	sshll.u32 s15, $0xD  }
0x2b: {  	[sflag:s4] =	ssyncadd.s32 $0xFFFFE000;
	s19 =	sor.u32 $0x20, s16  }
0x2c: {  	s15 =	smul.u32 $0x8100, s15;
	v3 =	vld [tilespmem:s19+$0x10]  }
0x2d: {  	s30 =	sand.u32 $0x1, s12;
	v2 =	vld [tilespmem:s19+$0xFFFFFFF0]  }
0x2e: {  	s16 =	smul.u32 $0x8100, s30;
	s15 =	sshrl.u32 s15, $0x2;
	v0 =	vld [tilespmem:s19+$0x0]  }
0x2f: {  	v1 =	vld [tilespmem:s19+$0xFFFFFFE0];
	s17 =	sor.u32 $0x4000, s15  }
0x30: {  	s31 =	sshrl.u32 s16, $0x2;
	s16 =	sadd.s32 $0x0, s17  }
0x31: {  	s18 =	simm.s32 $0x4;
	s19 =	sadd.s32 $0x40, s19;
	s15 =	sor.u32 $0x4000, s31;
	[tilespmem:s16+$0x1830 ss:$0x81] =	vst.msk $0xffff, v3  }
.LBB1_3:
0x32: {  	v3 =	vld [tilespmem:s19+$0x10];
	p1 =	sne.s32 s18, $0x1FC;
	[tilespmem:s16+$0x810 ss:$0x81] =	vst.msk $0xffff, v2;
	s20 =	smov.u32 s18;
	s18 =	sadd.s32 $0x4, s18  }
.Ltmp3:
0x33: {  	v2 =	vld [tilespmem:s19+$0xFFFFFFF0];
	[tilespmem:s16+$0x1020 ss:$0x81] =	vst.msk $0xffff, v0;
	(pc) =	sbr.rel @p1 .LBB1_3-.Ltmp3, $4  }
0x34: {  	v0 =	vld [tilespmem:s19+$0x0];
	[tilespmem:s16+$0x0 ss:$0x81] =	vst.msk $0xffff, v1  }
0x35: {  	s16 =	sshra.s32 s20, $0x2;
	v1 =	vld [tilespmem:s19+$0xFFFFFFE0]  }
0x36: {  	s16 =	sadd.s32 s16, s17  }
0x37: {  	s19 =	sadd.s32 $0x40, s19;
	[tilespmem:s16+$0x1830 ss:$0x81] =	vst.msk $0xffff, v3  }
.Ltmp4:
0x38: {  	_ = 	snop;
	(pc) =	sbr.rel .LBB1_4-.Ltmp4, $1  }
0x39: {  	_ =	sdelay $0x3  }
.LBB1_6:
0x3a: {  	_ =	sfence.sel $0x180000  }
0x3b: {  	s2 =	simm.s32 $0x1;
	[bflag:$0x0] =	sbarrier.arrive $0xFFFF  }
0x3c: {  	s31 =	simm.s32 $0x2;
	[sflag:s2] =	ssyncpa.u1 $0x1  }
0x3d: {  	[sflag:s31] =	ssyncpa.u1 $0x1  }
0x3e: {  	p0 =	sne.s32 s0, $0x0;
	_ =	strace $0x9000004A  }
0x3f: {  	s0 =	sadd.s32 @!p0 $0x100000, s1;
	[bflag:$0x2] =	sbarrier.arrive $0xFFFF  }
0x40: {  	[sflag:s0] =	ssyncadd.tile.s32 @!p0 $0x1;
	_ =	shalt  }
.Lfunc_end1:
_tile_overlayer_lowered:
.L_overlay_start_2:
0x41: {  	(tag) =	ssettag $0x2  }
0x42: {  	s0 =	rddreg [dreg:$0x0];
	s2 =	stileid.u32  }
0x43: {  	s1 =	rddreg [dreg:$0x1];
	p0 =	sne.s32 s2, $0x0  }
0x44: {  	s3 =	rddreg [dreg:$0x2];
	[bflag:$0x3] =	sbarrier.arrive $0xFFFF;
	s2 =	simm.s32 @!p0 $0x1C01  }
0x45: {  	[timem:s3], [sflag:s2] =	dma.local @!p0 [hbm:s0], s1  }
0x46: {  	s0 =	simm.s32 @!p0 $0x1  }
0x47: {  	_ =	swait.ge @!p0 [sflag:s0], s1  }
0x48: {  	s1 =	ssub.s32 @!p0 $0x0, s1;
	[sflag:s0] =	ssyncset.done @!p0 $0x0  }
0x49: {  	[sflag:s0] =	ssyncadd.s32 @!p0 s1  }
0x4a: {  	[bflag:$0x3] =	sbarrier.arrive $0xFFFF  }
0x4b: {  	_ =	shalt  }

</sc_bundles>
